<compile_context>
chip_gen: v7x
topology: tpu7x:2x2x1
jax: 0.10.2.dev20260603
libtpu: 0.0.44.dev20260713+nightly
codegen_flags: <defaults>
</compile_context>

<pallas_src>
import functools

import jax
import jax.numpy as jnp
from jax import lax
from jax.experimental import pallas as pl
from jax.experimental.pallas import tpu as pltpu
from jax.experimental.pallas import tpu_sc as plsc

_LANES = 128
_XBB = 16384


def _xpose_body(inT_ref, eye_ref, out_ref):
    x = inT_ref[...]
    dn = (((0,), (0,)), ((), ()))
    xt = lax.dot_general(x, eye_ref[...], dn,
                         preferred_element_type=jnp.float32)
    h = xt.shape[0] // 2
    out_ref[...] = jnp.concatenate([xt[:h], xt[h:]], axis=1)


def _transpose_pack(tabT):
    D, N = tabT.shape
    nblk = pl.cdiv(N, _XBB)
    half = _XBB // 2
    return pl.pallas_call(
        _xpose_body,
        grid=(nblk,),
        in_specs=[pl.BlockSpec((D, _XBB), lambda i: (0, i)),
                  pl.BlockSpec((D, D), lambda i: (0, 0))],
        out_specs=pl.BlockSpec((half, 2 * D), lambda i: (i, 0)),
        out_shape=jax.ShapeDtypeStruct((nblk * half, 2 * D), jnp.float32),
    )(tabT, jnp.eye(D, dtype=jnp.float32))


def _pack_row_ids(ids):
    blk = ids // _XBB
    t = ids % _XBB
    half = _XBB // 2
    row = blk * half + t % half
    sel = t // half
    return row, sel


def _sc_gather(uid2d, mid2d, utab_pack, mtab_pack):
    info = plsc.get_sparse_core_info()
    NC, NS = info.num_cores, info.num_subcores
    NW = NC * NS
    n_rows, L = uid2d.shape
    B = n_rows * L
    rows_per_w = n_rows // NW
    b_per_w = B // NW
    half = b_per_w // 2
    mesh = plsc.VectorSubcoreMesh(core_axis_name="c", subcore_axis_name="s")

    @functools.partial(
        pl.kernel,
        mesh=mesh,
        out_type=[
            jax.ShapeDtypeStruct((B, _LANES), jnp.float32),
            jax.ShapeDtypeStruct((B, _LANES), jnp.float32),
        ],
        scratch_types=[
            pltpu.VMEM((rows_per_w, L), jnp.int32),
            pltpu.VMEM((rows_per_w, L), jnp.int32),
            pltpu.VMEM((half, _LANES), jnp.float32),
            pltpu.VMEM((half, _LANES), jnp.float32),
            pltpu.SemaphoreType.DMA,
        ],
        compiler_params=pltpu.CompilerParams(use_tc_tiling_on_sc=True),
    )
    def gather_kernel(uid_hbm, mid_hbm, utab_hbm, mtab_hbm,
                      uout_hbm, mout_hbm,
                      uidx_v, midx_v, urows_v, mrows_v, sem):
        wid = lax.axis_index("s") * NC + lax.axis_index("c")
        rbase = wid * rows_per_w
        base = wid * b_per_w
        pltpu.sync_copy(uid_hbm.at[pl.ds(rbase, rows_per_w)], uidx_v)
        pltpu.sync_copy(mid_hbm.at[pl.ds(rbase, rows_per_w)], midx_v)
        chunks_per_half = half // L
        for h in range(2):
            copies = []
            for c in range(chunks_per_half):
                row = h * chunks_per_half + c
                copies.append(pltpu.async_copy(
                    utab_hbm.at[uidx_v.at[row]],
                    urows_v.at[pl.ds(c * L, L)], sem))
                copies.append(pltpu.async_copy(
                    mtab_hbm.at[midx_v.at[row]],
                    mrows_v.at[pl.ds(c * L, L)], sem))
            for cp in copies:
                cp.wait()
            pltpu.sync_copy(urows_v, uout_hbm.at[pl.ds(base + h * half, half)])
            pltpu.sync_copy(mrows_v, mout_hbm.at[pl.ds(base + h * half, half)])

    return gather_kernel(uid2d, mid2d, utab_pack, mtab_pack)


def _mlp_body(u_ref, m_ref, usel_ref, msel_ref, w1u_ref, w1m_ref, b1_ref,
              w2_ref, b2_ref, w3_ref, b3_ref, o_ref):
    d = w1u_ref.shape[0]
    urows = u_ref[...]
    mrows = m_ref[...]
    u = jnp.where(usel_ref[...] > 0, urows[:, d:], urows[:, :d])
    m = jnp.where(msel_ref[...] > 0, mrows[:, d:], mrows[:, :d])
    h = jnp.dot(u, w1u_ref[...], preferred_element_type=jnp.float32)
    h = h + jnp.dot(m, w1m_ref[...], preferred_element_type=jnp.float32)
    h = jnp.maximum(h + b1_ref[...], 0.0)
    h = jnp.maximum(
        jnp.dot(h, w2_ref[...], preferred_element_type=jnp.float32)
        + b2_ref[...], 0.0)
    o_ref[...] = (jnp.dot(h, w3_ref[...], preferred_element_type=jnp.float32)
                  + b3_ref[...])


def _tc_mlp(upack, mpack, usel, msel, W1u, W1m, b1r, W2, b2r, W3, b3r):
    B = upack.shape[0]
    D = W1u.shape[0]
    H = W2.shape[0]
    H2 = W2.shape[1]
    BB = 4096
    grid = (B // BB,)
    full = lambda shape: pl.BlockSpec(shape, lambda i: (0, 0))
    return pl.pallas_call(
        _mlp_body,
        grid=grid,
        in_specs=[
            pl.BlockSpec((BB, 2 * D), lambda i: (i, 0)),
            pl.BlockSpec((BB, 2 * D), lambda i: (i, 0)),
            pl.BlockSpec((BB, 1), lambda i: (i, 0)),
            pl.BlockSpec((BB, 1), lambda i: (i, 0)),
            full((D, H)),
            full((D, H)),
            full((1, H)),
            full((H, H2)),
            full((1, H2)),
            full((H2, 1)),
            full((1, 1)),
        ],
        out_specs=pl.BlockSpec((BB, 1), lambda i: (i, 0)),
        out_shape=jax.ShapeDtypeStruct((B, 1), jnp.float32),
    )(upack, mpack, usel, msel, W1u, W1m, b1r, W2, b2r, W3, b3r)


def kernel(user_ids, movie_ids, user_table, movie_table, W1, b1, W2, b2, W3, b3):
    D = user_table.shape[1]
    B = user_ids.shape[0]
    uids = user_ids.astype(jnp.int32)
    mids = movie_ids.astype(jnp.int32)
    urow, usel = _pack_row_ids(uids)
    mrow, msel = _pack_row_ids(mids)
    uid2d = urow.reshape(-1, _LANES)
    mid2d = mrow.reshape(-1, _LANES)
    utab_pack = _transpose_pack(user_table.T)
    mtab_pack = _transpose_pack(movie_table.T)
    upack, mpack = _sc_gather(uid2d, mid2d, utab_pack, mtab_pack)
    out = _tc_mlp(upack, mpack, usel.reshape(B, 1), msel.reshape(B, 1),
                  W1[:D], W1[D:], b1.reshape(1, -1),
                  W2, b2.reshape(1, -1), W3, b3.reshape(1, 1))
    return out

# --- scband reference (transcript-rebuilt; emitter-appended) ---
"""Pipeline reference for scband-collaborative-recommender-61366492725413 (READ-ONLY COPY).

The authoritative reference and input builder live on the scoring server;
editing this copy changes nothing except your own understanding.
"""

import jax, jax.numpy as jnp
import numpy as np

B = 16384
U = 1000000
M = 100000
D = 64
H = 64

def setup_inputs(seed: int = 0) -> dict:
    key = jax.random.key(seed)
    ks = jax.random.split(key, 12)
    user_ids = jax.random.randint(ks[0], (B,), 0, U, dtype=jnp.int64 if jax.config.jax_enable_x64 else jnp.int32)
    movie_ids = jax.random.randint(ks[1], (B,), 0, M, dtype=jnp.int64 if jax.config.jax_enable_x64 else jnp.int32)
    user_table = jax.random.normal(ks[2], (U, D), dtype=jnp.float32) * 0.05
    movie_table = jax.random.normal(ks[3], (M, D), dtype=jnp.float32) * 0.05
    W1 = jax.random.normal(ks[4], (2 * D, H), dtype=jnp.float32) * (1.0 / np.sqrt(2 * D))
    b1 = jnp.zeros((H,), dtype=jnp.float32)
    W2 = jax.random.normal(ks[5], (H, H // 2), dtype=jnp.float32) * (1.0 / np.sqrt(H))
    b2 = jnp.zeros((H // 2,), dtype=jnp.float32)
    W3 = jax.random.normal(ks[6], (H // 2, 1), dtype=jnp.float32) * (1.0 / np.sqrt(H // 2))
    b3 = jnp.zeros((1,), dtype=jnp.float32)
    return {"user_ids": user_ids, "movie_ids": movie_ids,
            "user_table": user_table, "movie_table": movie_table,
            "W1": W1, "b1": b1, "W2": W2, "b2": b2, "W3": W3, "b3": b3}

def reference(user_ids, movie_ids, user_table, movie_table, W1, b1, W2, b2, W3, b3):
    user_vec = jnp.take(user_table, user_ids, axis=0)
    movie_vec = jnp.take(movie_table, movie_ids, axis=0)
    x = jnp.concatenate([user_vec, movie_vec], axis=-1)
    x = jax.nn.relu(x @ W1 + b1)
    x = jax.nn.relu(x @ W2 + b2)
    out = x @ W3 + b3
    return out

if __name__ == "__main__":
    import jax
    _d = setup_inputs()
    print(jax.jit(kernel)(*tuple(_d.values())))

</pallas_src>

<mosaic_0001>
#map = affine_map<(d0, d1) -> (0, 0)>
module attributes {stable_mosaic.version = 14 : i64} {
  func.func @gather_kernel(%arg0: i32, %arg1: i32, %arg2: memref<128x128xi32, #tpu.memory_space<hbm>>, %arg3: memref<128x128xi32, #tpu.memory_space<hbm>>, %arg4: memref<507904x128xf32, #tpu.memory_space<hbm>>, %arg5: memref<57344x128xf32, #tpu.memory_space<hbm>>, %arg6: memref<16384x128xf32, #tpu.memory_space<hbm>>, %arg7: memref<16384x128xf32, #tpu.memory_space<hbm>>, %arg8: memref<4x128xi32, #tpu.memory_space<vmem>>, %arg9: memref<4x128xi32, #tpu.memory_space<vmem>>, %arg10: memref<256x128xf32, #tpu.memory_space<vmem>>, %arg11: memref<256x128xf32, #tpu.memory_space<vmem>>, %arg12: memref<!tpu.dma_semaphore, #tpu.memory_space<semaphore_mem>>) attributes {dimension_semantics = [#tpu.dimension_semantics<core_parallel>, #tpu.dimension_semantics<subcore_parallel>], iteration_bounds = array<i64: 2, 16>, scalar_prefetch = 0 : i64, scratch_operands = 5 : i64, tpu.core_type = #tpu.core_type<sc_vector_subcore>, window_params = [{transform_indices = #map}, {transform_indices = #map}, {transform_indices = #map}, {transform_indices = #map}, {transform_indices = #map}, {transform_indices = #map}]} {
    %mul3A = arith.constant 2 : i32
    %mul3A_0 = arith.muli %arg1, %mul3A : i32
    %add3A = arith.addi %mul3A_0, %arg0 : i32
    %mul3A_1 = arith.constant 4 : i32
    %mul3A_2 = arith.muli %add3A, %mul3A_1 : i32
    %mul3A_3 = arith.constant 512 : i32
    %mul3A_4 = arith.muli %add3A, %mul3A_3 : i32
    "tpu.region"() ({
      %run_scoped3A = tpu.sem_alloc : memref<!tpu.dma_semaphore, #tpu.memory_space<semaphore_mem>>
      %dma_start3A_171 = arith.constant 0 : i32
      %dma_start3A_172 = tpu.memref_slice %arg2[%mul3A_2, %dma_start3A_171] : memref<128x128xi32, #tpu.memory_space<hbm>> -> memref<4x128xi32, #tpu.memory_space<hbm>>
      %dma_start3A_173 = arith.constant 0 : i32
      %dma_start3A_174 = tpu.memref_slice %arg2[%mul3A_2, %dma_start3A_173] : memref<128x128xi32, #tpu.memory_space<hbm>> -> memref<4x128xi32, #tpu.memory_space<hbm>>
      tpu.enqueue_dma source(%dma_start3A_174 : memref<4x128xi32, #tpu.memory_space<hbm>>) target(%arg8 : memref<4x128xi32, #tpu.memory_space<vmem>>) target_semaphore(%run_scoped3A : memref<!tpu.dma_semaphore, #tpu.memory_space<semaphore_mem>>)
      %dma_wait3A_175 = arith.constant 0 : i32
      %dma_wait3A_176 = tpu.memref_slice %arg2[%mul3A_2, %dma_wait3A_175] : memref<128x128xi32, #tpu.memory_space<hbm>> -> memref<4x128xi32, #tpu.memory_space<hbm>>
      %dma_wait3A_177 = arith.constant 0 : i32
      %dma_wait3A_178 = tpu.memref_slice %arg2[%mul3A_2, %dma_wait3A_177] : memref<128x128xi32, #tpu.memory_space<hbm>> -> memref<4x128xi32, #tpu.memory_space<hbm>>
      tpu.wait_dma2 semaphore(%run_scoped3A : memref<!tpu.dma_semaphore, #tpu.memory_space<semaphore_mem>>) src(%dma_wait3A_178 : memref<4x128xi32, #tpu.memory_space<hbm>>) dst(%arg8 : memref<4x128xi32, #tpu.memory_space<vmem>>)
      tpu.yield
    }) : () -> ()
    "tpu.region"() ({
      %run_scoped3A = tpu.sem_alloc : memref<!tpu.dma_semaphore, #tpu.memory_space<semaphore_mem>>
      %dma_start3A_171 = arith.constant 0 : i32
      %dma_start3A_172 = tpu.memref_slice %arg3[%mul3A_2, %dma_start3A_171] : memref<128x128xi32, #tpu.memory_space<hbm>> -> memref<4x128xi32, #tpu.memory_space<hbm>>
      %dma_start3A_173 = arith.constant 0 : i32
      %dma_start3A_174 = tpu.memref_slice %arg3[%mul3A_2, %dma_start3A_173] : memref<128x128xi32, #tpu.memory_space<hbm>> -> memref<4x128xi32, #tpu.memory_space<hbm>>
      tpu.enqueue_dma source(%dma_start3A_174 : memref<4x128xi32, #tpu.memory_space<hbm>>) target(%arg9 : memref<4x128xi32, #tpu.memory_space<vmem>>) target_semaphore(%run_scoped3A : memref<!tpu.dma_semaphore, #tpu.memory_space<semaphore_mem>>)
      %dma_wait3A_175 = arith.constant 0 : i32
      %dma_wait3A_176 = tpu.memref_slice %arg3[%mul3A_2, %dma_wait3A_175] : memref<128x128xi32, #tpu.memory_space<hbm>> -> memref<4x128xi32, #tpu.memory_space<hbm>>
      %dma_wait3A_177 = arith.constant 0 : i32
      %dma_wait3A_178 = tpu.memref_slice %arg3[%mul3A_2, %dma_wait3A_177] : memref<128x128xi32, #tpu.memory_space<hbm>> -> memref<4x128xi32, #tpu.memory_space<hbm>>
      tpu.wait_dma2 semaphore(%run_scoped3A : memref<!tpu.dma_semaphore, #tpu.memory_space<semaphore_mem>>) src(%dma_wait3A_178 : memref<4x128xi32, #tpu.memory_space<hbm>>) dst(%arg9 : memref<4x128xi32, #tpu.memory_space<vmem>>)
      tpu.yield
    }) : () -> ()
    %dma_start3A = arith.constant 0 : i32
    %dma_start3A_5 = arith.constant 0 : i32
    %dma_start3A_6 = arith.constant 0 : i32
    %dma_start3A_7 = tpu.memref_slice %arg10[%dma_start3A_5, %dma_start3A_6] : memref<256x128xf32, #tpu.memory_space<vmem>> -> memref<128x128xf32, #tpu.memory_space<vmem>>
    %dma_start3A_8 = arith.constant 0 : i32
    %dma_start3A_9 = tpu.memref_slice %arg8[%dma_start3A, %dma_start3A_8] : memref<4x128xi32, #tpu.memory_space<vmem>> -> memref<1x128xi32, #tpu.memory_space<vmem>>
    %dma_start3A_10 = tpu.memref_squeeze %dma_start3A_9 : memref<1x128xi32, #tpu.memory_space<vmem>> -> memref<128xi32, #tpu.memory_space<vmem>>
    %dma_start3A_11 = arith.constant 0 : i32
    %dma_start3A_12 = arith.constant 0 : i32
    %dma_start3A_13 = tpu.memref_slice %arg4[%dma_start3A_11, %dma_start3A_12] : memref<507904x128xf32, #tpu.memory_space<hbm>> -> memref<507904x128xf32, #tpu.memory_space<hbm>>
    tpu.enqueue_indirect_dma source(%dma_start3A_13 : memref<507904x128xf32, #tpu.memory_space<hbm>>) target(%dma_start3A_7 : memref<128x128xf32, #tpu.memory_space<vmem>>) offsets(%dma_start3A_10 : memref<128xi32, #tpu.memory_space<vmem>>) semaphore(%arg12 : memref<!tpu.dma_semaphore, #tpu.memory_space<semaphore_mem>>)
    %dma_start3A_14 = arith.constant 0 : i32
    %dma_start3A_15 = arith.constant 0 : i32
    %dma_start3A_16 = arith.constant 0 : i32
    %dma_start3A_17 = tpu.memref_slice %arg11[%dma_start3A_15, %dma_start3A_16] : memref<256x128xf32, #tpu.memory_space<vmem>> -> memref<128x128xf32, #tpu.memory_space<vmem>>
    %dma_start3A_18 = arith.constant 0 : i32
    %dma_start3A_19 = tpu.memref_slice %arg9[%dma_start3A_14, %dma_start3A_18] : memref<4x128xi32, #tpu.memory_space<vmem>> -> memref<1x128xi32, #tpu.memory_space<vmem>>
    %dma_start3A_20 = tpu.memref_squeeze %dma_start3A_19 : memref<1x128xi32, #tpu.memory_space<vmem>> -> memref<128xi32, #tpu.memory_space<vmem>>
    %dma_start3A_21 = arith.constant 0 : i32
    %dma_start3A_22 = arith.constant 0 : i32
    %dma_start3A_23 = tpu.memref_slice %arg5[%dma_start3A_21, %dma_start3A_22] : memref<57344x128xf32, #tpu.memory_space<hbm>> -> memref<57344x128xf32, #tpu.memory_space<hbm>>
    tpu.enqueue_indirect_dma source(%dma_start3A_23 : memref<57344x128xf32, #tpu.memory_space<hbm>>) target(%dma_start3A_17 : memref<128x128xf32, #tpu.memory_space<vmem>>) offsets(%dma_start3A_20 : memref<128xi32, #tpu.memory_space<vmem>>) semaphore(%arg12 : memref<!tpu.dma_semaphore, #tpu.memory_space<semaphore_mem>>)
    %dma_start3A_24 = arith.constant 1 : i32
    %dma_start3A_25 = arith.constant 128 : i32
    %dma_start3A_26 = arith.constant 0 : i32
    %dma_start3A_27 = tpu.memref_slice %arg10[%dma_start3A_25, %dma_start3A_26] : memref<256x128xf32, #tpu.memory_space<vmem>> -> memref<128x128xf32, #tpu.memory_space<vmem>>
    %dma_start3A_28 = arith.constant 0 : i32
    %dma_start3A_29 = tpu.memref_slice %arg8[%dma_start3A_24, %dma_start3A_28] : memref<4x128xi32, #tpu.memory_space<vmem>> -> memref<1x128xi32, #tpu.memory_space<vmem>>
    %dma_start3A_30 = tpu.memref_squeeze %dma_start3A_29 : memref<1x128xi32, #tpu.memory_space<vmem>> -> memref<128xi32, #tpu.memory_space<vmem>>
    %dma_start3A_31 = arith.constant 0 : i32
    %dma_start3A_32 = arith.constant 0 : i32
    %dma_start3A_33 = tpu.memref_slice %arg4[%dma_start3A_31, %dma_start3A_32] : memref<507904x128xf32, #tpu.memory_space<hbm>> -> memref<507904x128xf32, #tpu.memory_space<hbm>>
    tpu.enqueue_indirect_dma source(%dma_start3A_33 : memref<507904x128xf32, #tpu.memory_space<hbm>>) target(%dma_start3A_27 : memref<128x128xf32, #tpu.memory_space<vmem>>) offsets(%dma_start3A_30 : memref<128xi32, #tpu.memory_space<vmem>>) semaphore(%arg12 : memref<!tpu.dma_semaphore, #tpu.memory_space<semaphore_mem>>)
    %dma_start3A_34 = arith.constant 1 : i32
    %dma_start3A_35 = arith.constant 128 : i32
    %dma_start3A_36 = arith.constant 0 : i32
    %dma_start3A_37 = tpu.memref_slice %arg11[%dma_start3A_35, %dma_start3A_36] : memref<256x128xf32, #tpu.memory_space<vmem>> -> memref<128x128xf32, #tpu.memory_space<vmem>>
    %dma_start3A_38 = arith.constant 0 : i32
    %dma_start3A_39 = tpu.memref_slice %arg9[%dma_start3A_34, %dma_start3A_38] : memref<4x128xi32, #tpu.memory_space<vmem>> -> memref<1x128xi32, #tpu.memory_space<vmem>>
    %dma_start3A_40 = tpu.memref_squeeze %dma_start3A_39 : memref<1x128xi32, #tpu.memory_space<vmem>> -> memref<128xi32, #tpu.memory_space<vmem>>
    %dma_start3A_41 = arith.constant 0 : i32
    %dma_start3A_42 = arith.constant 0 : i32
    %dma_start3A_43 = tpu.memref_slice %arg5[%dma_start3A_41, %dma_start3A_42] : memref<57344x128xf32, #tpu.memory_space<hbm>> -> memref<57344x128xf32, #tpu.memory_space<hbm>>
    tpu.enqueue_indirect_dma source(%dma_start3A_43 : memref<57344x128xf32, #tpu.memory_space<hbm>>) target(%dma_start3A_37 : memref<128x128xf32, #tpu.memory_space<vmem>>) offsets(%dma_start3A_40 : memref<128xi32, #tpu.memory_space<vmem>>) semaphore(%arg12 : memref<!tpu.dma_semaphore, #tpu.memory_space<semaphore_mem>>)
    %dma_wait3A = arith.constant 0 : i32
    %dma_wait3A_44 = arith.constant 0 : i32
    %dma_wait3A_45 = arith.constant 0 : i32
    %dma_wait3A_46 = tpu.memref_slice %arg10[%dma_wait3A_44, %dma_wait3A_45] : memref<256x128xf32, #tpu.memory_space<vmem>> -> memref<128x128xf32, #tpu.memory_space<vmem>>
    %dma_wait3A_47 = arith.constant 0 : i32
    %dma_wait3A_48 = tpu.memref_slice %arg8[%dma_wait3A, %dma_wait3A_47] : memref<4x128xi32, #tpu.memory_space<vmem>> -> memref<1x128xi32, #tpu.memory_space<vmem>>
    %dma_wait3A_49 = tpu.memref_squeeze %dma_wait3A_48 : memref<1x128xi32, #tpu.memory_space<vmem>> -> memref<128xi32, #tpu.memory_space<vmem>>
    %dma_wait3A_50 = arith.constant 0 : i32
    %dma_wait3A_51 = arith.constant 0 : i32
    %dma_wait3A_52 = tpu.memref_slice %arg4[%dma_wait3A_50, %dma_wait3A_51] : memref<507904x128xf32, #tpu.memory_space<hbm>> -> memref<507904x128xf32, #tpu.memory_space<hbm>>
    tpu.wait_indirect_dma semaphore(%arg12 : memref<!tpu.dma_semaphore, #tpu.memory_space<semaphore_mem>>) src(%dma_wait3A_52 : memref<507904x128xf32, #tpu.memory_space<hbm>>) dst(%dma_wait3A_46 : memref<128x128xf32, #tpu.memory_space<vmem>>)
    %dma_wait3A_53 = arith.constant 0 : i32
    %dma_wait3A_54 = arith.constant 0 : i32
    %dma_wait3A_55 = arith.constant 0 : i32
    %dma_wait3A_56 = tpu.memref_slice %arg11[%dma_wait3A_54, %dma_wait3A_55] : memref<256x128xf32, #tpu.memory_space<vmem>> -> memref<128x128xf32, #tpu.memory_space<vmem>>
    %dma_wait3A_57 = arith.constant 0 : i32
    %dma_wait3A_58 = tpu.memref_slice %arg9[%dma_wait3A_53, %dma_wait3A_57] : memref<4x128xi32, #tpu.memory_space<vmem>> -> memref<1x128xi32, #tpu.memory_space<vmem>>
    %dma_wait3A_59 = tpu.memref_squeeze %dma_wait3A_58 : memref<1x128xi32, #tpu.memory_space<vmem>> -> memref<128xi32, #tpu.memory_space<vmem>>
    %dma_wait3A_60 = arith.constant 0 : i32
    %dma_wait3A_61 = arith.constant 0 : i32
    %dma_wait3A_62 = tpu.memref_slice %arg5[%dma_wait3A_60, %dma_wait3A_61] : memref<57344x128xf32, #tpu.memory_space<hbm>> -> memref<57344x128xf32, #tpu.memory_space<hbm>>
    tpu.wait_indirect_dma semaphore(%arg12 : memref<!tpu.dma_semaphore, #tpu.memory_space<semaphore_mem>>) src(%dma_wait3A_62 : memref<57344x128xf32, #tpu.memory_space<hbm>>) dst(%dma_wait3A_56 : memref<128x128xf32, #tpu.memory_space<vmem>>)
    %dma_wait3A_63 = arith.constant 1 : i32
    %dma_wait3A_64 = arith.constant 128 : i32
    %dma_wait3A_65 = arith.constant 0 : i32
    %dma_wait3A_66 = tpu.memref_slice %arg10[%dma_wait3A_64, %dma_wait3A_65] : memref<256x128xf32, #tpu.memory_space<vmem>> -> memref<128x128xf32, #tpu.memory_space<vmem>>
    %dma_wait3A_67 = arith.constant 0 : i32
    %dma_wait3A_68 = tpu.memref_slice %arg8[%dma_wait3A_63, %dma_wait3A_67] : memref<4x128xi32, #tpu.memory_space<vmem>> -> memref<1x128xi32, #tpu.memory_space<vmem>>
    %dma_wait3A_69 = tpu.memref_squeeze %dma_wait3A_68 : memref<1x128xi32, #tpu.memory_space<vmem>> -> memref<128xi32, #tpu.memory_space<vmem>>
    %dma_wait3A_70 = arith.constant 0 : i32
    %dma_wait3A_71 = arith.constant 0 : i32
    %dma_wait3A_72 = tpu.memref_slice %arg4[%dma_wait3A_70, %dma_wait3A_71] : memref<507904x128xf32, #tpu.memory_space<hbm>> -> memref<507904x128xf32, #tpu.memory_space<hbm>>
    tpu.wait_indirect_dma semaphore(%arg12 : memref<!tpu.dma_semaphore, #tpu.memory_space<semaphore_mem>>) src(%dma_wait3A_72 : memref<507904x128xf32, #tpu.memory_space<hbm>>) dst(%dma_wait3A_66 : memref<128x128xf32, #tpu.memory_space<vmem>>)
    %dma_wait3A_73 = arith.constant 1 : i32
    %dma_wait3A_74 = arith.constant 128 : i32
    %dma_wait3A_75 = arith.constant 0 : i32
    %dma_wait3A_76 = tpu.memref_slice %arg11[%dma_wait3A_74, %dma_wait3A_75] : memref<256x128xf32, #tpu.memory_space<vmem>> -> memref<128x128xf32, #tpu.memory_space<vmem>>
    %dma_wait3A_77 = arith.constant 0 : i32
    %dma_wait3A_78 = tpu.memref_slice %arg9[%dma_wait3A_73, %dma_wait3A_77] : memref<4x128xi32, #tpu.memory_space<vmem>> -> memref<1x128xi32, #tpu.memory_space<vmem>>
    %dma_wait3A_79 = tpu.memref_squeeze %dma_wait3A_78 : memref<1x128xi32, #tpu.memory_space<vmem>> -> memref<128xi32, #tpu.memory_space<vmem>>
    %dma_wait3A_80 = arith.constant 0 : i32
    %dma_wait3A_81 = arith.constant 0 : i32
    %dma_wait3A_82 = tpu.memref_slice %arg5[%dma_wait3A_80, %dma_wait3A_81] : memref<57344x128xf32, #tpu.memory_space<hbm>> -> memref<57344x128xf32, #tpu.memory_space<hbm>>
    tpu.wait_indirect_dma semaphore(%arg12 : memref<!tpu.dma_semaphore, #tpu.memory_space<semaphore_mem>>) src(%dma_wait3A_82 : memref<57344x128xf32, #tpu.memory_space<hbm>>) dst(%dma_wait3A_76 : memref<128x128xf32, #tpu.memory_space<vmem>>)
    %add3A_83 = arith.constant 0 : i32
    %add3A_84 = arith.addi %mul3A_4, %add3A_83 : i32
    "tpu.region"() ({
      %run_scoped3A = tpu.sem_alloc : memref<!tpu.dma_semaphore, #tpu.memory_space<semaphore_mem>>
      %dma_start3A_171 = arith.constant 0 : i32
      %dma_start3A_172 = tpu.memref_slice %arg6[%add3A_84, %dma_start3A_171] : memref<16384x128xf32, #tpu.memory_space<hbm>> -> memref<256x128xf32, #tpu.memory_space<hbm>>
      %dma_start3A_173 = arith.constant 0 : i32
      %dma_start3A_174 = tpu.memref_slice %arg6[%add3A_84, %dma_start3A_173] : memref<16384x128xf32, #tpu.memory_space<hbm>> -> memref<256x128xf32, #tpu.memory_space<hbm>>
      tpu.enqueue_dma source(%arg10 : memref<256x128xf32, #tpu.memory_space<vmem>>) target(%dma_start3A_174 : memref<256x128xf32, #tpu.memory_space<hbm>>) target_semaphore(%run_scoped3A : memref<!tpu.dma_semaphore, #tpu.memory_space<semaphore_mem>>)
      %dma_wait3A_175 = arith.constant 0 : i32
      %dma_wait3A_176 = tpu.memref_slice %arg6[%add3A_84, %dma_wait3A_175] : memref<16384x128xf32, #tpu.memory_space<hbm>> -> memref<256x128xf32, #tpu.memory_space<hbm>>
      %dma_wait3A_177 = arith.constant 0 : i32
      %dma_wait3A_178 = tpu.memref_slice %arg6[%add3A_84, %dma_wait3A_177] : memref<16384x128xf32, #tpu.memory_space<hbm>> -> memref<256x128xf32, #tpu.memory_space<hbm>>
      tpu.wait_dma2 semaphore(%run_scoped3A : memref<!tpu.dma_semaphore, #tpu.memory_space<semaphore_mem>>) src(%arg10 : memref<256x128xf32, #tpu.memory_space<vmem>>) dst(%dma_wait3A_178 : memref<256x128xf32, #tpu.memory_space<hbm>>)
      tpu.yield
    }) : () -> ()
    %add3A_85 = arith.constant 0 : i32
    %add3A_86 = arith.addi %mul3A_4, %add3A_85 : i32
    "tpu.region"() ({
      %run_scoped3A = tpu.sem_alloc : memref<!tpu.dma_semaphore, #tpu.memory_space<semaphore_mem>>
      %dma_start3A_171 = arith.constant 0 : i32
      %dma_start3A_172 = tpu.memref_slice %arg7[%add3A_86, %dma_start3A_171] : memref<16384x128xf32, #tpu.memory_space<hbm>> -> memref<256x128xf32, #tpu.memory_space<hbm>>
      %dma_start3A_173 = arith.constant 0 : i32
      %dma_start3A_174 = tpu.memref_slice %arg7[%add3A_86, %dma_start3A_173] : memref<16384x128xf32, #tpu.memory_space<hbm>> -> memref<256x128xf32, #tpu.memory_space<hbm>>
      tpu.enqueue_dma source(%arg11 : memref<256x128xf32, #tpu.memory_space<vmem>>) target(%dma_start3A_174 : memref<256x128xf32, #tpu.memory_space<hbm>>) target_semaphore(%run_scoped3A : memref<!tpu.dma_semaphore, #tpu.memory_space<semaphore_mem>>)
      %dma_wait3A_175 = arith.constant 0 : i32
      %dma_wait3A_176 = tpu.memref_slice %arg7[%add3A_86, %dma_wait3A_175] : memref<16384x128xf32, #tpu.memory_space<hbm>> -> memref<256x128xf32, #tpu.memory_space<hbm>>
      %dma_wait3A_177 = arith.constant 0 : i32
      %dma_wait3A_178 = tpu.memref_slice %arg7[%add3A_86, %dma_wait3A_177] : memref<16384x128xf32, #tpu.memory_space<hbm>> -> memref<256x128xf32, #tpu.memory_space<hbm>>
      tpu.wait_dma2 semaphore(%run_scoped3A : memref<!tpu.dma_semaphore, #tpu.memory_space<semaphore_mem>>) src(%arg11 : memref<256x128xf32, #tpu.memory_space<vmem>>) dst(%dma_wait3A_178 : memref<256x128xf32, #tpu.memory_space<hbm>>)
      tpu.yield
    }) : () -> ()
    %dma_start3A_87 = arith.constant 2 : i32
    %dma_start3A_88 = arith.constant 0 : i32
    %dma_start3A_89 = arith.constant 0 : i32
    %dma_start3A_90 = tpu.memref_slice %arg10[%dma_start3A_88, %dma_start3A_89] : memref<256x128xf32, #tpu.memory_space<vmem>> -> memref<128x128xf32, #tpu.memory_space<vmem>>
    %dma_start3A_91 = arith.constant 0 : i32
    %dma_start3A_92 = tpu.memref_slice %arg8[%dma_start3A_87, %dma_start3A_91] : memref<4x128xi32, #tpu.memory_space<vmem>> -> memref<1x128xi32, #tpu.memory_space<vmem>>
    %dma_start3A_93 = tpu.memref_squeeze %dma_start3A_92 : memref<1x128xi32, #tpu.memory_space<vmem>> -> memref<128xi32, #tpu.memory_space<vmem>>
    %dma_start3A_94 = arith.constant 0 : i32
    %dma_start3A_95 = arith.constant 0 : i32
    %dma_start3A_96 = tpu.memref_slice %arg4[%dma_start3A_94, %dma_start3A_95] : memref<507904x128xf32, #tpu.memory_space<hbm>> -> memref<507904x128xf32, #tpu.memory_space<hbm>>
    tpu.enqueue_indirect_dma source(%dma_start3A_96 : memref<507904x128xf32, #tpu.memory_space<hbm>>) target(%dma_start3A_90 : memref<128x128xf32, #tpu.memory_space<vmem>>) offsets(%dma_start3A_93 : memref<128xi32, #tpu.memory_space<vmem>>) semaphore(%arg12 : memref<!tpu.dma_semaphore, #tpu.memory_space<semaphore_mem>>)
    %dma_start3A_97 = arith.constant 2 : i32
    %dma_start3A_98 = arith.constant 0 : i32
    %dma_start3A_99 = arith.constant 0 : i32
    %dma_start3A_100 = tpu.memref_slice %arg11[%dma_start3A_98, %dma_start3A_99] : memref<256x128xf32, #tpu.memory_space<vmem>> -> memref<128x128xf32, #tpu.memory_space<vmem>>
    %dma_start3A_101 = arith.constant 0 : i32
    %dma_start3A_102 = tpu.memref_slice %arg9[%dma_start3A_97, %dma_start3A_101] : memref<4x128xi32, #tpu.memory_space<vmem>> -> memref<1x128xi32, #tpu.memory_space<vmem>>
    %dma_start3A_103 = tpu.memref_squeeze %dma_start3A_102 : memref<1x128xi32, #tpu.memory_space<vmem>> -> memref<128xi32, #tpu.memory_space<vmem>>
    %dma_start3A_104 = arith.constant 0 : i32
    %dma_start3A_105 = arith.constant 0 : i32
    %dma_start3A_106 = tpu.memref_slice %arg5[%dma_start3A_104, %dma_start3A_105] : memref<57344x128xf32, #tpu.memory_space<hbm>> -> memref<57344x128xf32, #tpu.memory_space<hbm>>
    tpu.enqueue_indirect_dma source(%dma_start3A_106 : memref<57344x128xf32, #tpu.memory_space<hbm>>) target(%dma_start3A_100 : memref<128x128xf32, #tpu.memory_space<vmem>>) offsets(%dma_start3A_103 : memref<128xi32, #tpu.memory_space<vmem>>) semaphore(%arg12 : memref<!tpu.dma_semaphore, #tpu.memory_space<semaphore_mem>>)
    %dma_start3A_107 = arith.constant 3 : i32
    %dma_start3A_108 = arith.constant 128 : i32
    %dma_start3A_109 = arith.constant 0 : i32
    %dma_start3A_110 = tpu.memref_slice %arg10[%dma_start3A_108, %dma_start3A_109] : memref<256x128xf32, #tpu.memory_space<vmem>> -> memref<128x128xf32, #tpu.memory_space<vmem>>
    %dma_start3A_111 = arith.constant 0 : i32
    %dma_start3A_112 = tpu.memref_slice %arg8[%dma_start3A_107, %dma_start3A_111] : memref<4x128xi32, #tpu.memory_space<vmem>> -> memref<1x128xi32, #tpu.memory_space<vmem>>
    %dma_start3A_113 = tpu.memref_squeeze %dma_start3A_112 : memref<1x128xi32, #tpu.memory_space<vmem>> -> memref<128xi32, #tpu.memory_space<vmem>>
    %dma_start3A_114 = arith.constant 0 : i32
    %dma_start3A_115 = arith.constant 0 : i32
    %dma_start3A_116 = tpu.memref_slice %arg4[%dma_start3A_114, %dma_start3A_115] : memref<507904x128xf32, #tpu.memory_space<hbm>> -> memref<507904x128xf32, #tpu.memory_space<hbm>>
    tpu.enqueue_indirect_dma source(%dma_start3A_116 : memref<507904x128xf32, #tpu.memory_space<hbm>>) target(%dma_start3A_110 : memref<128x128xf32, #tpu.memory_space<vmem>>) offsets(%dma_start3A_113 : memref<128xi32, #tpu.memory_space<vmem>>) semaphore(%arg12 : memref<!tpu.dma_semaphore, #tpu.memory_space<semaphore_mem>>)
    %dma_start3A_117 = arith.constant 3 : i32
    %dma_start3A_118 = arith.constant 128 : i32
    %dma_start3A_119 = arith.constant 0 : i32
    %dma_start3A_120 = tpu.memref_slice %arg11[%dma_start3A_118, %dma_start3A_119] : memref<256x128xf32, #tpu.memory_space<vmem>> -> memref<128x128xf32, #tpu.memory_space<vmem>>
    %dma_start3A_121 = arith.constant 0 : i32
    %dma_start3A_122 = tpu.memref_slice %arg9[%dma_start3A_117, %dma_start3A_121] : memref<4x128xi32, #tpu.memory_space<vmem>> -> memref<1x128xi32, #tpu.memory_space<vmem>>
    %dma_start3A_123 = tpu.memref_squeeze %dma_start3A_122 : memref<1x128xi32, #tpu.memory_space<vmem>> -> memref<128xi32, #tpu.memory_space<vmem>>
    %dma_start3A_124 = arith.constant 0 : i32
    %dma_start3A_125 = arith.constant 0 : i32
    %dma_start3A_126 = tpu.memref_slice %arg5[%dma_start3A_124, %dma_start3A_125] : memref<57344x128xf32, #tpu.memory_space<hbm>> -> memref<57344x128xf32, #tpu.memory_space<hbm>>
    tpu.enqueue_indirect_dma source(%dma_start3A_126 : memref<57344x128xf32, #tpu.memory_space<hbm>>) target(%dma_start3A_120 : memref<128x128xf32, #tpu.memory_space<vmem>>) offsets(%dma_start3A_123 : memref<128xi32, #tpu.memory_space<vmem>>) semaphore(%arg12 : memref<!tpu.dma_semaphore, #tpu.memory_space<semaphore_mem>>)
    %dma_wait3A_127 = arith.constant 2 : i32
    %dma_wait3A_128 = arith.constant 0 : i32
    %dma_wait3A_129 = arith.constant 0 : i32
    %dma_wait3A_130 = tpu.memref_slice %arg10[%dma_wait3A_128, %dma_wait3A_129] : memref<256x128xf32, #tpu.memory_space<vmem>> -> memref<128x128xf32, #tpu.memory_space<vmem>>
    %dma_wait3A_131 = arith.constant 0 : i32
    %dma_wait3A_132 = tpu.memref_slice %arg8[%dma_wait3A_127, %dma_wait3A_131] : memref<4x128xi32, #tpu.memory_space<vmem>> -> memref<1x128xi32, #tpu.memory_space<vmem>>
    %dma_wait3A_133 = tpu.memref_squeeze %dma_wait3A_132 : memref<1x128xi32, #tpu.memory_space<vmem>> -> memref<128xi32, #tpu.memory_space<vmem>>
    %dma_wait3A_134 = arith.constant 0 : i32
    %dma_wait3A_135 = arith.constant 0 : i32
    %dma_wait3A_136 = tpu.memref_slice %arg4[%dma_wait3A_134, %dma_wait3A_135] : memref<507904x128xf32, #tpu.memory_space<hbm>> -> memref<507904x128xf32, #tpu.memory_space<hbm>>
    tpu.wait_indirect_dma semaphore(%arg12 : memref<!tpu.dma_semaphore, #tpu.memory_space<semaphore_mem>>) src(%dma_wait3A_136 : memref<507904x128xf32, #tpu.memory_space<hbm>>) dst(%dma_wait3A_130 : memref<128x128xf32, #tpu.memory_space<vmem>>)
    %dma_wait3A_137 = arith.constant 2 : i32
    %dma_wait3A_138 = arith.constant 0 : i32
    %dma_wait3A_139 = arith.constant 0 : i32
    %dma_wait3A_140 = tpu.memref_slice %arg11[%dma_wait3A_138, %dma_wait3A_139] : memref<256x128xf32, #tpu.memory_space<vmem>> -> memref<128x128xf32, #tpu.memory_space<vmem>>
    %dma_wait3A_141 = arith.constant 0 : i32
    %dma_wait3A_142 = tpu.memref_slice %arg9[%dma_wait3A_137, %dma_wait3A_141] : memref<4x128xi32, #tpu.memory_space<vmem>> -> memref<1x128xi32, #tpu.memory_space<vmem>>
    %dma_wait3A_143 = tpu.memref_squeeze %dma_wait3A_142 : memref<1x128xi32, #tpu.memory_space<vmem>> -> memref<128xi32, #tpu.memory_space<vmem>>
    %dma_wait3A_144 = arith.constant 0 : i32
    %dma_wait3A_145 = arith.constant 0 : i32
    %dma_wait3A_146 = tpu.memref_slice %arg5[%dma_wait3A_144, %dma_wait3A_145] : memref<57344x128xf32, #tpu.memory_space<hbm>> -> memref<57344x128xf32, #tpu.memory_space<hbm>>
    tpu.wait_indirect_dma semaphore(%arg12 : memref<!tpu.dma_semaphore, #tpu.memory_space<semaphore_mem>>) src(%dma_wait3A_146 : memref<57344x128xf32, #tpu.memory_space<hbm>>) dst(%dma_wait3A_140 : memref<128x128xf32, #tpu.memory_space<vmem>>)
    %dma_wait3A_147 = arith.constant 3 : i32
    %dma_wait3A_148 = arith.constant 128 : i32
    %dma_wait3A_149 = arith.constant 0 : i32
    %dma_wait3A_150 = tpu.memref_slice %arg10[%dma_wait3A_148, %dma_wait3A_149] : memref<256x128xf32, #tpu.memory_space<vmem>> -> memref<128x128xf32, #tpu.memory_space<vmem>>
    %dma_wait3A_151 = arith.constant 0 : i32
    %dma_wait3A_152 = tpu.memref_slice %arg8[%dma_wait3A_147, %dma_wait3A_151] : memref<4x128xi32, #tpu.memory_space<vmem>> -> memref<1x128xi32, #tpu.memory_space<vmem>>
    %dma_wait3A_153 = tpu.memref_squeeze %dma_wait3A_152 : memref<1x128xi32, #tpu.memory_space<vmem>> -> memref<128xi32, #tpu.memory_space<vmem>>
    %dma_wait3A_154 = arith.constant 0 : i32
    %dma_wait3A_155 = arith.constant 0 : i32
    %dma_wait3A_156 = tpu.memref_slice %arg4[%dma_wait3A_154, %dma_wait3A_155] : memref<507904x128xf32, #tpu.memory_space<hbm>> -> memref<507904x128xf32, #tpu.memory_space<hbm>>
    tpu.wait_indirect_dma semaphore(%arg12 : memref<!tpu.dma_semaphore, #tpu.memory_space<semaphore_mem>>) src(%dma_wait3A_156 : memref<507904x128xf32, #tpu.memory_space<hbm>>) dst(%dma_wait3A_150 : memref<128x128xf32, #tpu.memory_space<vmem>>)
    %dma_wait3A_157 = arith.constant 3 : i32
    %dma_wait3A_158 = arith.constant 128 : i32
    %dma_wait3A_159 = arith.constant 0 : i32
    %dma_wait3A_160 = tpu.memref_slice %arg11[%dma_wait3A_158, %dma_wait3A_159] : memref<256x128xf32, #tpu.memory_space<vmem>> -> memref<128x128xf32, #tpu.memory_space<vmem>>
    %dma_wait3A_161 = arith.constant 0 : i32
    %dma_wait3A_162 = tpu.memref_slice %arg9[%dma_wait3A_157, %dma_wait3A_161] : memref<4x128xi32, #tpu.memory_space<vmem>> -> memref<1x128xi32, #tpu.memory_space<vmem>>
    %dma_wait3A_163 = tpu.memref_squeeze %dma_wait3A_162 : memref<1x128xi32, #tpu.memory_space<vmem>> -> memref<128xi32, #tpu.memory_space<vmem>>
    %dma_wait3A_164 = arith.constant 0 : i32
    %dma_wait3A_165 = arith.constant 0 : i32
    %dma_wait3A_166 = tpu.memref_slice %arg5[%dma_wait3A_164, %dma_wait3A_165] : memref<57344x128xf32, #tpu.memory_space<hbm>> -> memref<57344x128xf32, #tpu.memory_space<hbm>>
    tpu.wait_indirect_dma semaphore(%arg12 : memref<!tpu.dma_semaphore, #tpu.memory_space<semaphore_mem>>) src(%dma_wait3A_166 : memref<57344x128xf32, #tpu.memory_space<hbm>>) dst(%dma_wait3A_160 : memref<128x128xf32, #tpu.memory_space<vmem>>)
    %add3A_167 = arith.constant 256 : i32
    %add3A_168 = arith.addi %mul3A_4, %add3A_167 : i32
    "tpu.region"() ({
      %run_scoped3A = tpu.sem_alloc : memref<!tpu.dma_semaphore, #tpu.memory_space<semaphore_mem>>
      %dma_start3A_171 = arith.constant 0 : i32
      %dma_start3A_172 = tpu.memref_slice %arg6[%add3A_168, %dma_start3A_171] : memref<16384x128xf32, #tpu.memory_space<hbm>> -> memref<256x128xf32, #tpu.memory_space<hbm>>
      %dma_start3A_173 = arith.constant 0 : i32
      %dma_start3A_174 = tpu.memref_slice %arg6[%add3A_168, %dma_start3A_173] : memref<16384x128xf32, #tpu.memory_space<hbm>> -> memref<256x128xf32, #tpu.memory_space<hbm>>
      tpu.enqueue_dma source(%arg10 : memref<256x128xf32, #tpu.memory_space<vmem>>) target(%dma_start3A_174 : memref<256x128xf32, #tpu.memory_space<hbm>>) target_semaphore(%run_scoped3A : memref<!tpu.dma_semaphore, #tpu.memory_space<semaphore_mem>>)
      %dma_wait3A_175 = arith.constant 0 : i32
      %dma_wait3A_176 = tpu.memref_slice %arg6[%add3A_168, %dma_wait3A_175] : memref<16384x128xf32, #tpu.memory_space<hbm>> -> memref<256x128xf32, #tpu.memory_space<hbm>>
      %dma_wait3A_177 = arith.constant 0 : i32
      %dma_wait3A_178 = tpu.memref_slice %arg6[%add3A_168, %dma_wait3A_177] : memref<16384x128xf32, #tpu.memory_space<hbm>> -> memref<256x128xf32, #tpu.memory_space<hbm>>
      tpu.wait_dma2 semaphore(%run_scoped3A : memref<!tpu.dma_semaphore, #tpu.memory_space<semaphore_mem>>) src(%arg10 : memref<256x128xf32, #tpu.memory_space<vmem>>) dst(%dma_wait3A_178 : memref<256x128xf32, #tpu.memory_space<hbm>>)
      tpu.yield
    }) : () -> ()
    %add3A_169 = arith.constant 256 : i32
    %add3A_170 = arith.addi %mul3A_4, %add3A_169 : i32
    "tpu.region"() ({
      %run_scoped3A = tpu.sem_alloc : memref<!tpu.dma_semaphore, #tpu.memory_space<semaphore_mem>>
      %dma_start3A_171 = arith.constant 0 : i32
      %dma_start3A_172 = tpu.memref_slice %arg7[%add3A_170, %dma_start3A_171] : memref<16384x128xf32, #tpu.memory_space<hbm>> -> memref<256x128xf32, #tpu.memory_space<hbm>>
      %dma_start3A_173 = arith.constant 0 : i32
      %dma_start3A_174 = tpu.memref_slice %arg7[%add3A_170, %dma_start3A_173] : memref<16384x128xf32, #tpu.memory_space<hbm>> -> memref<256x128xf32, #tpu.memory_space<hbm>>
      tpu.enqueue_dma source(%arg11 : memref<256x128xf32, #tpu.memory_space<vmem>>) target(%dma_start3A_174 : memref<256x128xf32, #tpu.memory_space<hbm>>) target_semaphore(%run_scoped3A : memref<!tpu.dma_semaphore, #tpu.memory_space<semaphore_mem>>)
      %dma_wait3A_175 = arith.constant 0 : i32
      %dma_wait3A_176 = tpu.memref_slice %arg7[%add3A_170, %dma_wait3A_175] : memref<16384x128xf32, #tpu.memory_space<hbm>> -> memref<256x128xf32, #tpu.memory_space<hbm>>
      %dma_wait3A_177 = arith.constant 0 : i32
      %dma_wait3A_178 = tpu.memref_slice %arg7[%add3A_170, %dma_wait3A_177] : memref<16384x128xf32, #tpu.memory_space<hbm>> -> memref<256x128xf32, #tpu.memory_space<hbm>>
      tpu.wait_dma2 semaphore(%run_scoped3A : memref<!tpu.dma_semaphore, #tpu.memory_space<semaphore_mem>>) src(%arg11 : memref<256x128xf32, #tpu.memory_space<vmem>>) dst(%dma_wait3A_178 : memref<256x128xf32, #tpu.memory_space<hbm>>)
      tpu.yield
    }) : () -> ()
    return
  }
}

module attributes {stable_mosaic.version = 14 : i64} {
  func.func @_xpose_body(%arg0: i32, %arg1: memref<64x16384xf32, #tpu.memory_space<vmem>>, %arg2: memref<64x64xf32, #tpu.memory_space<vmem>>, %arg3: memref<8192x128xf32, #tpu.memory_space<vmem>>) attributes {dimension_semantics = [#tpu.dimension_semantics<arbitrary>], iteration_bounds = array<i64: 7>, scalar_prefetch = 0 : i64, scratch_operands = 0 : i64, tpu.core_type = #tpu.core_type<tc>, window_params = [{transform_indices = @transform_0, window_bounds = array<i64: 64, 16384>}, {pipeline_mode = #tpu.pipeline_mode<synchronous>, transform_indices = @transform_1, window_bounds = array<i64: 64, 64>}, {transform_indices = @transform_2, window_bounds = array<i64: 8192, 128>}]} {
    %get3A = arith.constant 0 : index
    %get3A_0 = arith.constant 0 : index
    %get3A_1 = vector.load %arg1[%get3A, %get3A_0] : memref<64x16384xf32, #tpu.memory_space<vmem>>, vector<64x16384xf32>
    %get3A_2 = arith.constant 0 : index
    %get3A_3 = arith.constant 0 : index
    %get3A_4 = vector.load %arg2[%get3A_2, %get3A_3] : memref<64x64xf32, #tpu.memory_space<vmem>>, vector<64x64xf32>
    %dot_general3A = arith.constant dense<0.000000e+00> : vector<16384x64xf32>
    %dot_general3A_5 = tpu.matmul %get3A_1, %get3A_4, %dot_general3A {dimension_numbers = #tpu.dot_dimension_numbers<[0], [0], [1], [1], [0, 1, 1, 1], [], []>, transpose_lhs_hint = false} : vector<64x16384xf32>, vector<64x64xf32>, vector<16384x64xf32> -> vector<16384x64xf32>
    %slice3A = vector.extract_strided_slice %dot_general3A_5 {offsets = [0, 0], sizes = [8192, 64], strides = [1, 1]} : vector<16384x64xf32> to vector<8192x64xf32>
    %slice3A_6 = vector.extract_strided_slice %dot_general3A_5 {offsets = [8192, 0], sizes = [8192, 64], strides = [1, 1]} : vector<16384x64xf32> to vector<8192x64xf32>
    %concatenate3A = tpu.concatenate %slice3A, %slice3A_6 in 1 : vector<8192x64xf32>, vector<8192x64xf32> -> vector<8192x128xf32>
    %swap3A = arith.constant 0 : index
    %swap3A_7 = arith.constant 0 : index
    %swap3A_8 = vector.load %arg3[%swap3A, %swap3A_7] : memref<8192x128xf32, #tpu.memory_space<vmem>>, vector<8192x128xf32>
    tpu.vector_store %arg3[%swap3A, %swap3A_7], %concatenate3A {strides = array<i32>} : memref<8192x128xf32, #tpu.memory_space<vmem>>, vector<8192x128xf32>,
    return
  }
  func.func @transform_0(%arg0: i32) -> (i32, i32) {
    %c0_i32 = arith.constant 0 : i32
    %c0_i32_0 = arith.constant 0 : i32
    return %c0_i32, %arg0 : i32, i32
  }
  func.func @transform_1(%arg0: i32) -> (i32, i32) {
    %c0_i32 = arith.constant 0 : i32
    %c0_i32_0 = arith.constant 0 : i32
    %c0_i32_1 = arith.constant 0 : i32
    return %c0_i32, %c0_i32_0 : i32, i32
  }
  func.func @transform_2(%arg0: i32) -> (i32, i32) {
    %c0_i32 = arith.constant 0 : i32
    %c0_i32_0 = arith.constant 0 : i32
    return %arg0, %c0_i32 : i32, i32
  }
}

module attributes {stable_mosaic.version = 14 : i64} {
  func.func @_xpose_body(%arg0: i32, %arg1: memref<64x16384xf32, #tpu.memory_space<vmem>>, %arg2: memref<64x64xf32, #tpu.memory_space<vmem>>, %arg3: memref<8192x128xf32, #tpu.memory_space<vmem>>) attributes {dimension_semantics = [#tpu.dimension_semantics<arbitrary>], iteration_bounds = array<i64: 62>, scalar_prefetch = 0 : i64, scratch_operands = 0 : i64, tpu.core_type = #tpu.core_type<tc>, window_params = [{transform_indices = @transform_0, window_bounds = array<i64: 64, 16384>}, {pipeline_mode = #tpu.pipeline_mode<synchronous>, transform_indices = @transform_1, window_bounds = array<i64: 64, 64>}, {transform_indices = @transform_2, window_bounds = array<i64: 8192, 128>}]} {
    %get3A = arith.constant 0 : index
    %get3A_0 = arith.constant 0 : index
    %get3A_1 = vector.load %arg1[%get3A, %get3A_0] : memref<64x16384xf32, #tpu.memory_space<vmem>>, vector<64x16384xf32>
    %get3A_2 = arith.constant 0 : index
    %get3A_3 = arith.constant 0 : index
    %get3A_4 = vector.load %arg2[%get3A_2, %get3A_3] : memref<64x64xf32, #tpu.memory_space<vmem>>, vector<64x64xf32>
    %dot_general3A = arith.constant dense<0.000000e+00> : vector<16384x64xf32>
    %dot_general3A_5 = tpu.matmul %get3A_1, %get3A_4, %dot_general3A {dimension_numbers = #tpu.dot_dimension_numbers<[0], [0], [1], [1], [0, 1, 1, 1], [], []>, transpose_lhs_hint = false} : vector<64x16384xf32>, vector<64x64xf32>, vector<16384x64xf32> -> vector<16384x64xf32>
    %slice3A = vector.extract_strided_slice %dot_general3A_5 {offsets = [0, 0], sizes = [8192, 64], strides = [1, 1]} : vector<16384x64xf32> to vector<8192x64xf32>
    %slice3A_6 = vector.extract_strided_slice %dot_general3A_5 {offsets = [8192, 0], sizes = [8192, 64], strides = [1, 1]} : vector<16384x64xf32> to vector<8192x64xf32>
    %concatenate3A = tpu.concatenate %slice3A, %slice3A_6 in 1 : vector<8192x64xf32>, vector<8192x64xf32> -> vector<8192x128xf32>
    %swap3A = arith.constant 0 : index
    %swap3A_7 = arith.constant 0 : index
    %swap3A_8 = vector.load %arg3[%swap3A, %swap3A_7] : memref<8192x128xf32, #tpu.memory_space<vmem>>, vector<8192x128xf32>
    tpu.vector_store %arg3[%swap3A, %swap3A_7], %concatenate3A {strides = array<i32>} : memref<8192x128xf32, #tpu.memory_space<vmem>>, vector<8192x128xf32>,
    return
  }
  func.func @transform_0(%arg0: i32) -> (i32, i32) {
    %c0_i32 = arith.constant 0 : i32
    %c0_i32_0 = arith.constant 0 : i32
    return %c0_i32, %arg0 : i32, i32
  }
  func.func @transform_1(%arg0: i32) -> (i32, i32) {
    %c0_i32 = arith.constant 0 : i32
    %c0_i32_0 = arith.constant 0 : i32
    %c0_i32_1 = arith.constant 0 : i32
    return %c0_i32, %c0_i32_0 : i32, i32
  }
  func.func @transform_2(%arg0: i32) -> (i32, i32) {
    %c0_i32 = arith.constant 0 : i32
    %c0_i32_0 = arith.constant 0 : i32
    return %arg0, %c0_i32 : i32, i32
  }
}

module attributes {stable_mosaic.version = 14 : i64} {
  func.func @_mlp_body(%arg0: i32, %arg1: memref<4096x128xf32, #tpu.memory_space<vmem>>, %arg2: memref<4096x128xf32, #tpu.memory_space<vmem>>, %arg3: memref<4096x1xi32, #tpu.memory_space<vmem>>, %arg4: memref<4096x1xi32, #tpu.memory_space<vmem>>, %arg5: memref<64x64xf32, #tpu.memory_space<vmem>>, %arg6: memref<64x64xf32, #tpu.memory_space<vmem>>, %arg7: memref<1x64xf32, #tpu.memory_space<vmem>>, %arg8: memref<64x32xf32, #tpu.memory_space<vmem>>, %arg9: memref<1x32xf32, #tpu.memory_space<vmem>>, %arg10: memref<32x1xf32, #tpu.memory_space<vmem>>, %arg11: memref<1x1xf32, #tpu.memory_space<vmem>>, %arg12: memref<4096x1xf32, #tpu.memory_space<vmem>>) attributes {dimension_semantics = [#tpu.dimension_semantics<arbitrary>], iteration_bounds = array<i64: 4>, scalar_prefetch = 0 : i64, scratch_operands = 0 : i64, tpu.core_type = #tpu.core_type<tc>, window_params = [{transform_indices = @transform_0, window_bounds = array<i64: 4096, 128>}, {transform_indices = @transform_1, window_bounds = array<i64: 4096, 128>}, {transform_indices = @transform_2, window_bounds = array<i64: 4096, 1>}, {transform_indices = @transform_3, window_bounds = array<i64: 4096, 1>}, {pipeline_mode = #tpu.pipeline_mode<synchronous>, transform_indices = @transform_4, window_bounds = array<i64: 64, 64>}, {pipeline_mode = #tpu.pipeline_mode<synchronous>, transform_indices = @transform_5, window_bounds = array<i64: 64, 64>}, {pipeline_mode = #tpu.pipeline_mode<synchronous>, transform_indices = @transform_6, window_bounds = array<i64: 1, 64>}, {pipeline_mode = #tpu.pipeline_mode<synchronous>, transform_indices = @transform_7, window_bounds = array<i64: 64, 32>}, {pipeline_mode = #tpu.pipeline_mode<synchronous>, transform_indices = @transform_8, window_bounds = array<i64: 1, 32>}, {pipeline_mode = #tpu.pipeline_mode<synchronous>, transform_indices = @transform_9, window_bounds = array<i64: 32, 1>}, {pipeline_mode = #tpu.pipeline_mode<synchronous>, transform_indices = @transform_10, window_bounds = array<i64: 1, 1>}, {transform_indices = @transform_11, window_bounds = array<i64: 4096, 1>}]} {
    %get3A = arith.constant 0 : index
    %get3A_0 = arith.constant 0 : index
    %get3A_1 = vector.load %arg1[%get3A, %get3A_0] : memref<4096x128xf32, #tpu.memory_space<vmem>>, vector<4096x128xf32>
    %get3A_2 = arith.constant 0 : index
    %get3A_3 = arith.constant 0 : index
    %get3A_4 = vector.load %arg2[%get3A_2, %get3A_3] : memref<4096x128xf32, #tpu.memory_space<vmem>>, vector<4096x128xf32>
    %get3A_5 = arith.constant 0 : index
    %get3A_6 = arith.constant 0 : index
    %get3A_7 = vector.load %arg3[%get3A_5, %get3A_6] : memref<4096x1xi32, #tpu.memory_space<vmem>>, vector<4096x1xi32>
    %gt3A = arith.constant 0 : i32
    %gt3A_8 = vector.broadcast %gt3A : i32 to vector<4096x1xi32>
    %gt3A_9 = arith.cmpi sgt, %get3A_7, %gt3A_8 : vector<4096x1xi32>
    %slice3A = vector.extract_strided_slice %get3A_1 {offsets = [0, 64], sizes = [4096, 64], strides = [1, 1]} : vector<4096x128xf32> to vector<4096x64xf32>
    %slice3A_10 = vector.extract_strided_slice %get3A_1 {offsets = [0, 0], sizes = [4096, 64], strides = [1, 1]} : vector<4096x128xf32> to vector<4096x64xf32>
    %broadcast_in_dim3A = vector.shape_cast %gt3A_9 : vector<4096x1xi1> to vector<4096x1xi1>
    %broadcast_in_dim3A_11 = vector.broadcast %broadcast_in_dim3A : vector<4096x1xi1> to vector<4096x64xi1>
    %select_n3A = arith.select %broadcast_in_dim3A_11, %slice3A, %slice3A_10 : vector<4096x64xi1>, vector<4096x64xf32>
    %get3A_12 = arith.constant 0 : index
    %get3A_13 = arith.constant 0 : index
    %get3A_14 = vector.load %arg4[%get3A_12, %get3A_13] : memref<4096x1xi32, #tpu.memory_space<vmem>>, vector<4096x1xi32>
    %gt3A_15 = arith.constant 0 : i32
    %gt3A_16 = vector.broadcast %gt3A_15 : i32 to vector<4096x1xi32>
    %gt3A_17 = arith.cmpi sgt, %get3A_14, %gt3A_16 : vector<4096x1xi32>
    %slice3A_18 = vector.extract_strided_slice %get3A_4 {offsets = [0, 64], sizes = [4096, 64], strides = [1, 1]} : vector<4096x128xf32> to vector<4096x64xf32>
    %slice3A_19 = vector.extract_strided_slice %get3A_4 {offsets = [0, 0], sizes = [4096, 64], strides = [1, 1]} : vector<4096x128xf32> to vector<4096x64xf32>
    %broadcast_in_dim3A_20 = vector.shape_cast %gt3A_17 : vector<4096x1xi1> to vector<4096x1xi1>
    %broadcast_in_dim3A_21 = vector.broadcast %broadcast_in_dim3A_20 : vector<4096x1xi1> to vector<4096x64xi1>
    %select_n3A_22 = arith.select %broadcast_in_dim3A_21, %slice3A_18, %slice3A_19 : vector<4096x64xi1>, vector<4096x64xf32>
    %get3A_23 = arith.constant 0 : index
    %get3A_24 = arith.constant 0 : index
    %get3A_25 = vector.load %arg5[%get3A_23, %get3A_24] : memref<64x64xf32, #tpu.memory_space<vmem>>, vector<64x64xf32>
    %dot_general3A = arith.constant dense<0.000000e+00> : vector<4096x64xf32>
    %dot_general3A_26 = tpu.matmul %select_n3A, %get3A_25, %dot_general3A {dimension_numbers = #tpu.dot_dimension_numbers<[1], [0], [0], [1], [0, 0, 1, 1], [], []>, transpose_lhs_hint = false} : vector<4096x64xf32>, vector<64x64xf32>, vector<4096x64xf32> -> vector<4096x64xf32>
    %get3A_27 = arith.constant 0 : index
    %get3A_28 = arith.constant 0 : index
    %get3A_29 = vector.load %arg6[%get3A_27, %get3A_28] : memref<64x64xf32, #tpu.memory_space<vmem>>, vector<64x64xf32>
    %dot_general3A_30 = arith.constant dense<0.000000e+00> : vector<4096x64xf32>
    %dot_general3A_31 = tpu.matmul %select_n3A_22, %get3A_29, %dot_general3A_30 {dimension_numbers = #tpu.dot_dimension_numbers<[1], [0], [0], [1], [0, 0, 1, 1], [], []>, transpose_lhs_hint = false} : vector<4096x64xf32>, vector<64x64xf32>, vector<4096x64xf32> -> vector<4096x64xf32>
    %add3A = arith.addf %dot_general3A_26, %dot_general3A_31 : vector<4096x64xf32>
    %get3A_32 = arith.constant 0 : index
    %get3A_33 = arith.constant 0 : index
    %get3A_34 = vector.load %arg7[%get3A_32, %get3A_33] : memref<1x64xf32, #tpu.memory_space<vmem>>, vector<1x64xf32>
    %add3A_35 = vector.broadcast %get3A_34 : vector<1x64xf32> to vector<4096x64xf32>
    %add3A_36 = arith.addf %add3A, %add3A_35 : vector<4096x64xf32>
    %max3A = arith.constant 0.000000e+00 : f32
    %max3A_37 = vector.broadcast %max3A : f32 to vector<4096x64xf32>
    %max3A_38 = arith.maximumf %add3A_36, %max3A_37 : vector<4096x64xf32>
    %get3A_39 = arith.constant 0 : index
    %get3A_40 = arith.constant 0 : index
    %get3A_41 = vector.load %arg8[%get3A_39, %get3A_40] : memref<64x32xf32, #tpu.memory_space<vmem>>, vector<64x32xf32>
    %dot_general3A_42 = arith.constant dense<0.000000e+00> : vector<4096x32xf32>
    %dot_general3A_43 = tpu.matmul %max3A_38, %get3A_41, %dot_general3A_42 {dimension_numbers = #tpu.dot_dimension_numbers<[1], [0], [0], [1], [0, 0, 1, 1], [], []>, transpose_lhs_hint = false} : vector<4096x64xf32>, vector<64x32xf32>, vector<4096x32xf32> -> vector<4096x32xf32>
    %get3A_44 = arith.constant 0 : index
    %get3A_45 = arith.constant 0 : index
    %get3A_46 = vector.load %arg9[%get3A_44, %get3A_45] : memref<1x32xf32, #tpu.memory_space<vmem>>, vector<1x32xf32>
    %add3A_47 = vector.broadcast %get3A_46 : vector<1x32xf32> to vector<4096x32xf32>
    %add3A_48 = arith.addf %dot_general3A_43, %add3A_47 : vector<4096x32xf32>
    %max3A_49 = arith.constant 0.000000e+00 : f32
    %max3A_50 = vector.broadcast %max3A_49 : f32 to vector<4096x32xf32>
    %max3A_51 = arith.maximumf %add3A_48, %max3A_50 : vector<4096x32xf32>
    %get3A_52 = arith.constant 0 : index
    %get3A_53 = arith.constant 0 : index
    %get3A_54 = vector.load %arg10[%get3A_52, %get3A_53] : memref<32x1xf32, #tpu.memory_space<vmem>>, vector<32x1xf32>
    %dot_general3A_55 = arith.constant dense<0.000000e+00> : vector<4096x1xf32>
    %dot_general3A_56 = tpu.matmul %max3A_51, %get3A_54, %dot_general3A_55 {dimension_numbers = #tpu.dot_dimension_numbers<[1], [0], [0], [1], [0, 0, 1, 1], [], []>, transpose_lhs_hint = false} : vector<4096x32xf32>, vector<32x1xf32>, vector<4096x1xf32> -> vector<4096x1xf32>
    %get3A_57 = arith.constant 0 : index
    %get3A_58 = arith.constant 0 : index
    %get3A_59 = vector.load %arg11[%get3A_57, %get3A_58] : memref<1x1xf32, #tpu.memory_space<vmem>>, vector<1x1xf32>
    %add3A_60 = vector.broadcast %get3A_59 : vector<1x1xf32> to vector<4096x1xf32>
    %add3A_61 = arith.addf %dot_general3A_56, %add3A_60 : vector<4096x1xf32>
    %swap3A = arith.constant 0 : index
    %swap3A_62 = arith.constant 0 : index
    %swap3A_63 = vector.load %arg12[%swap3A, %swap3A_62] : memref<4096x1xf32, #tpu.memory_space<vmem>>, vector<4096x1xf32>
    tpu.vector_store %arg12[%swap3A, %swap3A_62], %add3A_61 {strides = array<i32>} : memref<4096x1xf32, #tpu.memory_space<vmem>>, vector<4096x1xf32>,
    return
  }
  func.func @transform_0(%arg0: i32) -> (i32, i32) {
    %c0_i32 = arith.constant 0 : i32
    %c0_i32_0 = arith.constant 0 : i32
    return %arg0, %c0_i32 : i32, i32
  }
  func.func @transform_1(%arg0: i32) -> (i32, i32) {
    %c0_i32 = arith.constant 0 : i32
    %c0_i32_0 = arith.constant 0 : i32
    return %arg0, %c0_i32 : i32, i32
  }
  func.func @transform_2(%arg0: i32) -> (i32, i32) {
    %c0_i32 = arith.constant 0 : i32
    %c0_i32_0 = arith.constant 0 : i32
    return %arg0, %c0_i32 : i32, i32
  }
  func.func @transform_3(%arg0: i32) -> (i32, i32) {
    %c0_i32 = arith.constant 0 : i32
    %c0_i32_0 = arith.constant 0 : i32
    return %arg0, %c0_i32 : i32, i32
  }
  func.func @transform_4(%arg0: i32) -> (i32, i32) {
    %c0_i32 = arith.constant 0 : i32
    %c0_i32_0 = arith.constant 0 : i32
    %c0_i32_1 = arith.constant 0 : i32
    return %c0_i32, %c0_i32_0 : i32, i32
  }
  func.func @transform_5(%arg0: i32) -> (i32, i32) {
    %c0_i32 = arith.constant 0 : i32
    %c0_i32_0 = arith.constant 0 : i32
    %c0_i32_1 = arith.constant 0 : i32
    return %c0_i32, %c0_i32_0 : i32, i32
  }
  func.func @transform_6(%arg0: i32) -> (i32, i32) {
    %c0_i32 = arith.constant 0 : i32
    %c0_i32_0 = arith.constant 0 : i32
    %c0_i32_1 = arith.constant 0 : i32
    return %c0_i32, %c0_i32_0 : i32, i32
  }
  func.func @transform_7(%arg0: i32) -> (i32, i32) {
    %c0_i32 = arith.constant 0 : i32
    %c0_i32_0 = arith.constant 0 : i32
    %c0_i32_1 = arith.constant 0 : i32
    return %c0_i32, %c0_i32_0 : i32, i32
  }
  func.func @transform_8(%arg0: i32) -> (i32, i32) {
    %c0_i32 = arith.constant 0 : i32
    %c0_i32_0 = arith.constant 0 : i32
    %c0_i32_1 = arith.constant 0 : i32
    return %c0_i32, %c0_i32_0 : i32, i32
  }
  func.func @transform_9(%arg0: i32) -> (i32, i32) {
    %c0_i32 = arith.constant 0 : i32
    %c0_i32_0 = arith.constant 0 : i32
    %c0_i32_1 = arith.constant 0 : i32
    return %c0_i32, %c0_i32_0 : i32, i32
  }
  func.func @transform_10(%arg0: i32) -> (i32, i32) {
    %c0_i32 = arith.constant 0 : i32
    %c0_i32_0 = arith.constant 0 : i32
    %c0_i32_1 = arith.constant 0 : i32
    return %c0_i32, %c0_i32_0 : i32, i32
  }
  func.func @transform_11(%arg0: i32) -> (i32, i32) {
    %c0_i32 = arith.constant 0 : i32
    %c0_i32_0 = arith.constant 0 : i32
    return %arg0, %c0_i32 : i32, i32
  }
}

</mosaic_0001>

<sc_bundles>
// kernel: kernel.6.cloned.1.call-start
scs
__scs_entry_jumppad:
0x0: {  	(pc) =	sbr.rel $0x88, $3  }
0x1: {  	(tag) =	ssettag $0x0;
	lr =	simm.s32 $0x1  }
0x2: {  	[smem:$0x3F97] =	sst lr;
	_ =	strace $0xD0000000  }
0x3: {  	_ = 	snop  }
0x4: {  	_ = 	snop  }
0x5: {  	_ = 	snop  }
0x6: {  	_ = 	snop  }
0x7: {  	_ = 	snop  }
__scs_overlays_trampoline_lowered:
0x8: {  	[smem:$0x3FA6] =	sst s0  }
0x9: {  	[smem:$0x3FA7] =	sst s1  }
0xa: {  	[smem:$0x3FA8] =	sst s2  }
0xb: {  	[smem:$0x3FA9] =	sst s3  }
0xc: {  	[smem:$0x3FAA] =	sst s4  }
0xd: {  	[smem:$0x3FAB] =	sst s5  }
0xe: {  	[smem:$0x3FAC] =	sst s6  }
0xf: {  	[smem:$0x3FAD] =	sst s7  }
0x10: {  	[smem:$0x3FAE] =	sst s8  }
0x11: {  	[smem:$0x3FAF] =	sst s9;
	s0 =	simm.s32 @!p0 $0x0  }
0x12: {  	s1 =	sld [smem:$0x3F95];
	s0 =	simm.s32 @p0 $0x1  }
0x13: {  	[smem:$0x3FB0] =	sst s0;
	s0 =	simm.s32 @!p1 $0x0  }
0x14: {  	s2 =	sld [smem:$0x3F94];
	s0 =	simm.s32 @p1 $0x1  }
0x15: {  	[smem:$0x3FB1] =	sst s0;
	s0 =	simm.s32 @!p2 $0x0  }
0x16: {  	s3 =	sld [smem:$0x3FDB];
	s0 =	simm.s32 @p2 $0x1  }
0x17: {  	s4 =	simm.s32 $0x1BF5;
	[smem:$0x3FB3] =	sst s0  }
0x18: {  	s0 =	sld [smem:$0x3F96];
	_ =	swait.ge [sflag:s4], $0x0  }
0x19: {  	s7 =	sld [smem:$0x3F97]  }
0x1a: {  	s8 =	sadd.s32 $0xFFFFE003, lr  }
0x1b: {  	s9 =	sadd.s32 $0xFFFFFEF7, lr;
	s5 =	simm.s32 $0xFFFFFFFF;
	p2 =	slt.u32 s8, $0xFFFFF086  }
0x1c: {  	p1 =	slt.u32 s9, $0xF7A;
	s5 =	simm.s32 @!p2 $0x0  }
0x1d: {  	s5 =	simm.s32 @p1 $0x1;
	p0 =	seq.s32 s7, s2  }
0x1e: {  	s7 =	smul.u32 @!p0 $0xF7A, s2;
	p2 =	seq.s32 @!p0 s5, $0x0  }
0x1f: {  	s9 =	smul.u32 $0xF7A, s1;
	s8 =	simm.s32 @!p0 $0x1BF5;
	p2 =	por !p2, p0  }
0x20: {  	[sflag:s8] =	ssyncset.s32 @!p0 $0xFFFFF086;
	s6 =	sadd.s32 @!p0 s3, s7;
	s7 =	simm.s32 @!p0 $0x108  }
0x21: {  	s3 =	sadd.s32 s3, s9;
	s6 =	sadd.s32 @!p0 $0x88, s6;
	s7 =	simm.s32 @p2 $0x1082  }
0x22: {  	[simem:s7], [sflag:s8] =	dma.local @!p0 [hbm:s6], $0xF7A  }
0x23: {  	s9 =	sor.u32 $0xD0000000, s2;
	s6 =	simm.s32 $0x108;
	_ =	swait.ge @!p0 [sflag:s8], $0x0  }
0x24: {  	s3 =	sadd.s32 $0x88, s3;
	s6 =	simm.s32 @!p1 $0x1082;
	[sflag:s4] =	ssyncset.s32 $0xFFFFF086  }
0x25: {  	[simem:s6], [sflag:s4] =	dma.local [hbm:s3], $0xF7A  }
0x26: {  	[smem:$0x3F97] =	sst s1;
	(tag) =	ssettag s2;
	_ =	strace s9  }
0x27: {  	s1 =	sld [smem:$0x3FA7]  }
0x28: {  	s2 =	sld [smem:$0x3FA8]  }
0x29: {  	s4 =	sld [smem:$0x3FAA]  }
0x2a: {  	p0 =	seq.s32 s5, $0x0;
	s5 =	sld [smem:$0x3FAB]  }
0x2b: {  	s6 =	sld [smem:$0x3FAC]  }
0x2c: {  	s7 =	sld [smem:$0x3FAD]  }
0x2d: {  	s3 =	simm.s32 $0x108;
	s8 =	sld [smem:$0x3FAE]  }
0x2e: {  	s3 =	simm.s32 @!p0 $0x1082;
	s9 =	sld [smem:$0x3FAF]  }
0x2f: {  	lr =	sadd.s32 s0, s3;
	s0 =	sld [smem:$0x3FA6]  }
0x30: {  	s3 =	sld [smem:$0x3FA9]  }
0x31: {  	[smem:$0x3FB2] =	sst s10  }
0x32: {  	s10 =	sld [smem:$0x3FB0];
	_ =	sdelay $0x3  }
0x33: {  	p0 =	seq.s32 s10, $0x1;
	s10 =	sld [smem:$0x3FB2];
	_ =	sdelay $0x3  }
0x34: {  	[smem:$0x3FB2] =	sst s10  }
0x35: {  	s10 =	sld [smem:$0x3FB1];
	_ =	sdelay $0x3  }
0x36: {  	p1 =	seq.s32 s10, $0x1;
	s10 =	sld [smem:$0x3FB2];
	_ =	sdelay $0x3  }
0x37: {  	[smem:$0x3FB2] =	sst s10  }
0x38: {  	s10 =	sld [smem:$0x3FB3]  }
0x39: {  	_ = 	snop;
	(pc) =	sbr.ind lr, $3  }
0x3a: {  	_ = 	snop  }
0x3b: {  	_ = 	snop  }
0x3c: {  	p2 =	seq.s32 s10, $0x1;
	s10 =	sld [smem:$0x3FB2]  }
0x3d: {  	_ =	shalt  }
0x3e: {  	_ =	shalt  }
0x3f: {  	_ =	shalt  }
0x40: {  	_ =	shalt  }
0x41: {  	_ =	shalt  }
0x42: {  	_ =	shalt  }
0x43: {  	_ =	shalt  }
0x44: {  	_ =	shalt  }
0x45: {  	_ =	shalt  }
0x46: {  	_ =	shalt  }
0x47: {  	_ =	shalt  }
0x48: {  	_ =	shalt  }
0x49: {  	_ =	shalt  }
0x4a: {  	_ =	shalt  }
0x4b: {  	_ =	shalt  }
0x4c: {  	_ =	shalt  }
0x4d: {  	_ =	shalt  }
0x4e: {  	_ =	shalt  }
0x4f: {  	_ =	shalt  }
0x50: {  	_ =	shalt  }
0x51: {  	_ =	shalt  }
0x52: {  	_ =	shalt  }
0x53: {  	_ =	shalt  }
0x54: {  	_ =	shalt  }
0x55: {  	_ =	shalt  }
0x56: {  	_ =	shalt  }
0x57: {  	_ =	shalt  }
0x58: {  	_ =	shalt  }
0x59: {  	_ =	shalt  }
0x5a: {  	_ =	shalt  }
0x5b: {  	_ =	shalt  }
0x5c: {  	_ =	shalt  }
0x5d: {  	_ =	shalt  }
0x5e: {  	_ =	shalt  }
0x5f: {  	_ =	shalt  }
0x60: {  	_ =	shalt  }
0x61: {  	_ =	shalt  }
0x62: {  	_ =	shalt  }
0x63: {  	_ =	shalt  }
0x64: {  	_ =	shalt  }
0x65: {  	_ =	shalt  }
0x66: {  	_ =	shalt  }
0x67: {  	_ =	shalt  }
0x68: {  	_ =	shalt  }
0x69: {  	_ =	shalt  }
0x6a: {  	_ =	shalt  }
0x6b: {  	_ =	shalt  }
0x6c: {  	_ =	shalt  }
0x6d: {  	_ =	shalt  }
0x6e: {  	_ =	shalt  }
0x6f: {  	_ =	shalt  }
0x70: {  	_ =	shalt  }
0x71: {  	_ =	shalt  }
0x72: {  	_ =	shalt  }
0x73: {  	_ =	shalt  }
0x74: {  	_ =	shalt  }
0x75: {  	_ =	shalt  }
0x76: {  	_ =	shalt  }
0x77: {  	_ =	shalt  }
0x78: {  	_ =	shalt  }
0x79: {  	_ =	shalt  }
0x7a: {  	_ =	shalt  }
0x7b: {  	_ =	shalt  }
0x7c: {  	_ =	shalt  }
0x7d: {  	_ =	shalt  }
0x7e: {  	_ =	shalt  }
0x7f: {  	_ =	shalt  }
0x80: {  	_ =	shalt  }
0x81: {  	_ =	shalt  }
0x82: {  	_ =	shalt  }
0x83: {  	_ =	shalt  }
0x84: {  	_ =	shalt  }
0x85: {  	_ =	shalt  }
0x86: {  	_ =	shalt  }
0x87: {  	_ =	shalt  }
.Lfunc_end0:
.L_simem_size_0:
called_computation_lowered:
.L_overlay_start_0:
0x88: {  	s2 =	sld [smem:$0x3FD9]  }
0x89: {  	s3 =	sld [smem:$0x3FFE];
	_ =	sdelay $0x1  }
0x8a: {  	s1 =	srdreg.scid  }
0x8b: {  	s0 =	sand.u32 $0x1, s1  }
0x8c: {  	s16 =	sshll.u32 s0, $0xA;
	s2 =	sadd.s32 s3, s2  }
0x8d: {  	s2 =	sadd.s32 s2, s16  }
0x8e: {  	[smem:$0x3FBE] =	sst s2  }
0x8f: {  	_ = 	snop  }
0x90: {  	(tm) =	ssettm $0x1  }
0x91: {  	s17 =	sld [smem:$0x3FFB];
	_ =	sdelay $0x3  }
0x92: {  	_ =	strace s17  }
0x93: {  	s2 =	sld [smem:$0x3FFC];
	_ =	sdelay $0x3  }
0x94: {  	_ =	strace s2  }
0x95: {  	s2 =	sld [smem:$0x3FFD];
	_ =	sdelay $0x3  }
0x96: {  	_ =	strace s2  }
0x97: {  	_ =	strace $0x8FFFFFFF  }
0x98: {  	s18 =	sld [smem:$0x3FDB];
	_ =	sdelay $0x1  }
0x99: {  	s19 =	simm.s32 $_scs_section_size  }
0x9a: {  	s4 =	simm.s32 $_size__tile_overlayer_lowered;
	s5 =	simm.s32 $_tile_overlayer_lowered  }
0x9b: {  	s22 =	simm.s32 $0x1BFF;
	s21 =	sshll.u32 s5, $0x1;
	s2 =	sadd.s32 s19, s18  }
0x9c: {  	s6 =	simm.s32 $0x0;
	s20 =	sshll.u32 s4, $0x1;
	s4 =	sadd.s32 s21, s2  }
0x9d: {  	[timem:s6], [sflag:s22] =	dma.local [hbm:s4], s20  }
0x9e: {  	_ =	swait.ge [sflag:s22], s20  }
0x9f: {  	s3 =	ssub.s32 $0x0, s20;
	[sflag:s22] =	ssyncset.done $0x0  }
0xa0: {  	[sflag:s22] =	ssyncadd.s32 s3;
	_ =	sdelay $0x1  }
0xa1: {  	s23 =	simm.s32 $0x1B8B  }
0xa2: {  	_ =	swait.ge [sflag:s23], $0x1  }
0xa3: {  	[sflag:s23] =	ssyncset.done $0x0  }
0xa4: {  	s25 =	simm.s32 $0x1B8E;
	s24 =	sld [smem:$0x3FFE];
	[sflag:s23] =	ssyncadd.s32 $0xFFFFFFFF  }
0xa5: {  	s26 =	simm.s32 $execute0_lowered;
	[smem:$0x3FD2] =	sst s25  }
0xa6: {  	s4 =	sshll.u32 s26, $0x1;
	_ =	strace $0x80000046;
	[dreg:$0x1] =	wrdreg $0xFFFFFFFF  }
0xa7: {  	s28 =	simm.s32 $_size_execute0_lowered;
	s2 =	sadd.s32 s2, s4;
	[dreg:$0x0] =	wrdreg $0x0  }
0xa8: {  	s4 =	sshll.u32 s28, $0x1;
	[dreg:$0x2] =	wrdreg s2  }
0xa9: {  	[dreg:$0x3] =	wrdreg s4  }
0xaa: {  	[dreg:$0x4] =	wrdreg $0xC0  }
0xab: {  	_ =	task [dreg:s6], $0x5FFFF  }
0xac: {  	[dreg:$0x1] =	wrdreg $0xFFFFFFFF  }
0xad: {  	[dreg:$0x0] =	wrdreg $0x60  }
0xae: {  	[dreg:$0x2] =	wrdreg s24  }
0xaf: {  	[dreg:$0x3] =	wrdreg $0x9  }
0xb0: {  	_ =	task.clear_ibuf [dreg:s6], $0x4FFFF;
	_ =	strace $0x90000046  }
0xb1: {  	s29 =	simm.s32 $0x9;
	_ =	strace $0x80000048  }
0xb2: {  	_ =	swait.ge [sflag:s29], $0x1  }
0xb3: {  	[sflag:s29] =	ssyncadd.s32 $0xFFFFFFFF  }
0xb4: {  	_ =	strace $0x90000048  }
0xb5: {  	_ =	sfence  }
0xb6: {  	s30 =	sld [smem:$0x0];
	_ =	sdelay $0x2  }
0xb7: {  	s31 =	sshll.u32 s1, $0xD;
	s1 =	sshrl.u32 s1, $0x2  }
0xb8: {  	s3 =	sand.u32 $0x4000, s31;
	s1 =	sadd.s32 s1, s30  }
0xb9: {  	s0 =	sor.u32 s3, s0;
	s1 =	sshll.u32 s1, $0x11  }
0xba: {  	s0 =	sor.u32 s1, s0  }
0xbb: {  	s0 =	sadd.s32 $0x8F2B, s0  }
0xbc: {  	[sflag:s0] =	ssyncadd.remote.s32 $0x1  }
0xbd: {  	_ =	sfence.sel $0xFFFF  }
0xbe: {  	[dreg:$0x0] =	wrdreg $0xFFFFFFFF;
	(pc) =	sbr.abs _section_cstart, $3  }
0xbf: {  	[dreg:$0x1] =	wrdreg $0xFFFFFFFF  }
0xc0: {  	_ =	task.clear_ibuf [dreg:s6], $0x2FFFF;
	_ =	strace $0x9FFFFFFF  }
0xc1: {  	(tm) =	ssettm $0x7FFFFFFF  }
tec
execute0_lowered:
.L_overlay_start_1:
0x0: {  	(tag) =	ssettag $0x1  }
0x1: {  	s1 =	srdreg.scid  }
0x2: {  	s0 =	stileid.u32;
	s22 =	sand.u32 $0x1, s1  }
0x3: {  	s17 =	rddreg [dreg:$0x0];
	s3 =	sshll.u32 s0, $0x7;
	s4 =	sshll.u32 s22, $0x6  }
0x4: {  	s2 =	simm.s32 $0x0;
	s1 =	rddreg [dreg:$0x1];
	s3 =	sor.u32 s4, s3  }
0x5: {  	[smem:$0x7FF] =	sst s2;
	s5 =	sadd.s32 s3, s17  }
0x6: {  	_ =	strace $0x80000047;
	s3 =	simm.s32 $0x2;
	s4 =	sadd.s32 $0x8A3000, s5  }
0x7: {  	[tilespmem:s2], [sflag:$0x2] =	stream.linear.gather [hbm4b:s4+s2], $0x200, $0x38;
	[tilespmem:$0x10400] =	vst v63  }
0x8: {  	_ =	swait.ge [sflag:s3], $0x200  }
0x9: {  	[sflag:s3] =	ssyncset.done $0x0  }
0xa: {  	s6 =	simm.s32 $0x200;
	s5 =	sadd.s32 $0x8A2800, s5;
	[sflag:s3] =	ssyncadd.s32 $0xFFFFFE00  }
0xb: {  	[tilespmem:s6], [sflag:$0x2] =	stream.linear.gather [hbm4b:s5+s2], $0x200, $0x38;
	[tilespmem:$0x10400] =	vst v63  }
0xc: {  	_ =	swait.ge [sflag:s3], $0x200  }
0xd: {  	s8 =	simm.s32 $0x80;
	[sflag:s3] =	ssyncset.done $0x0  }
0xe: {  	s9 =	simm.s32 $0x400;
	s7 =	sadd.s32 $0x2000, s17;
	[sflag:s3] =	ssyncadd.s32 $0xFFFFFE00  }
0xf: {  	[tilespmem:s9], [sflag:$0x1] =	stream.indirect.gather [hbm4b:s7+s8], $0x80, s2, s8, $0xb8;
	[tilespmem:$0x10400] =	vst v63  }
0x10: {  	s11 =	simm.s32 $0x8400;
	s10 =	sadd.s32 $0x7C2000, s17  }
0x11: {  	[tilespmem:s11], [sflag:$0x1] =	stream.indirect.gather [hbm4b:s10+s8], $0x80, s6, s8, $0xb8;
	[tilespmem:$0x10400] =	vst v63  }
0x12: {  	s12 =	simm.s32 $0x4400  }
0x13: {  	[tilespmem:s12], [sflag:$0x1] =	stream.indirect.gather [hbm4b:s7+s8], $0x80, s8, s8, $0xb8;
	[tilespmem:$0x10400] =	vst v63  }
0x14: {  	s13 =	simm.s32 $0x280;
	s14 =	simm.s32 $0xC400;
	s15 =	simm.s32 $0x1  }
0x15: {  	[tilespmem:s14], [sflag:$0x1] =	stream.indirect.gather [hbm4b:s10+s8], $0x80, s13, s8, $0xb8;
	[tilespmem:$0x10400] =	vst v63  }
0x16: {  	_ =	swait.ge [sflag:s15], $0x4000  }
0x17: {  	[sflag:s15] =	ssyncset.done $0x0  }
0x18: {  	[sflag:s15] =	ssyncadd.s32 $0xFFFFC000  }
0x19: {  	_ =	swait.ge [sflag:s15], $0x4000  }
0x1a: {  	[sflag:s15] =	ssyncset.done $0x0  }
0x1b: {  	[sflag:s15] =	ssyncadd.s32 $0xFFFFC000  }
0x1c: {  	_ =	swait.ge [sflag:s15], $0x4000  }
0x1d: {  	[sflag:s15] =	ssyncset.done $0x0  }
0x1e: {  	[sflag:s15] =	ssyncadd.s32 $0xFFFFC000  }
0x1f: {  	s16 =	sshll.u32 s0, $0xE;
	s18 =	sshll.u32 s22, $0xD;
	_ =	swait.ge [sflag:s15], $0x4000  }
0x20: {  	s23 =	sadd.s32 $0x8A3800, s17;
	s24 =	sor.u32 s18, s16;
	[sflag:s15] =	ssyncset.done $0x0  }
0x21: {  	s16 =	sadd.s32 s23, s24;
	[sflag:s15] =	ssyncadd.s32 $0xFFFFC000  }
0x22: {  	[hbm4b:s16+s2] =	stream.linear.scatter [tilespmem:s9], [sflag:$0x2], $0x8000, $0x38;
	[tilespmem:$0x10400] =	vst v63  }
0x23: {  	_ =	swait.ge [sflag:s3], $0x8000  }
0x24: {  	s25 =	sadd.s32 $0x8E3800, s17;
	[sflag:s3] =	ssyncset.done $0x0  }
0x25: {  	s17 =	sadd.s32 s25, s24;
	[sflag:s3] =	ssyncadd.s32 $0xFFFF8000  }
0x26: {  	[hbm4b:s17+s2] =	stream.linear.scatter [tilespmem:s11], [sflag:$0x2], $0x8000, $0x38;
	[tilespmem:$0x10400] =	vst v63  }
0x27: {  	_ =	swait.ge [sflag:s3], $0x8000  }
0x28: {  	[sflag:s3] =	ssyncset.done $0x0  }
0x29: {  	s18 =	simm.s32 $0x100;
	[sflag:s3] =	ssyncadd.s32 $0xFFFF8000  }
0x2a: {  	[tilespmem:s9], [sflag:$0x1] =	stream.indirect.gather [hbm4b:s7+s8], $0x80, s18, s8, $0xb8;
	[tilespmem:$0x10400] =	vst v63  }
0x2b: {  	s19 =	simm.s32 $0x300  }
0x2c: {  	[tilespmem:s11], [sflag:$0x1] =	stream.indirect.gather [hbm4b:s10+s8], $0x80, s19, s8, $0xb8;
	[tilespmem:$0x10400] =	vst v63  }
0x2d: {  	s20 =	simm.s32 $0x180  }
0x2e: {  	[tilespmem:s12], [sflag:$0x1] =	stream.indirect.gather [hbm4b:s7+s8], $0x80, s20, s8, $0xb8;
	[tilespmem:$0x10400] =	vst v63  }
0x2f: {  	s21 =	simm.s32 $0x380  }
0x30: {  	[tilespmem:s14], [sflag:$0x1] =	stream.indirect.gather [hbm4b:s10+s8], $0x80, s21, s8, $0xb8;
	[tilespmem:$0x10400] =	vst v63  }
0x31: {  	_ =	swait.ge [sflag:s15], $0x4000  }
0x32: {  	[sflag:s15] =	ssyncset.done $0x0  }
0x33: {  	[sflag:s15] =	ssyncadd.s32 $0xFFFFC000  }
0x34: {  	_ =	swait.ge [sflag:s15], $0x4000  }
0x35: {  	[sflag:s15] =	ssyncset.done $0x0  }
0x36: {  	[sflag:s15] =	ssyncadd.s32 $0xFFFFC000  }
0x37: {  	_ =	swait.ge [sflag:s15], $0x4000  }
0x38: {  	[sflag:s15] =	ssyncset.done $0x0  }
0x39: {  	s26 =	ssub.s32 $0x2, s22;
	[sflag:s15] =	ssyncadd.s32 $0xFFFFC000  }
0x3a: {  	s30 =	sshrl.u32 s26, $0x1;
	_ =	swait.ge [sflag:s15], $0x4000  }
0x3b: {  	s24 =	sor.u32 $0x1000, s24;
	s26 =	ssub.s32 s26, s30;
	[sflag:s15] =	ssyncset.done $0x0  }
0x3c: {  	s22 =	sadd.s32 s23, s24;
	s31 =	smax.u32 s26, $0x1;
	[sflag:s15] =	ssyncadd.s32 $0xFFFFC000  }
0x3d: {  	[hbm4b:s22+s2] =	stream.linear.scatter [tilespmem:s9], [sflag:$0x2], $0x8000, $0x38;
	[tilespmem:$0x10400] =	vst v63  }
0x3e: {  	p0 =	sne.s32 s31, $0x1;
	_ =	swait.ge [sflag:s3], $0x8000  }
.Ltmp0:
0x3f: {  	[sflag:s3] =	ssyncset.done $0x0;
	(pc) =	sbr.rel @!p0 .LBB2_2-.Ltmp0, $4  }
0x40: {  	s23 =	sadd.s32 s25, s24;
	[sflag:s3] =	ssyncadd.s32 $0xFFFF8000  }
0x41: {  	[hbm4b:s23+s2] =	stream.linear.scatter [tilespmem:s11], [sflag:$0x2], $0x8000, $0x38;
	[tilespmem:$0x10400] =	vst v63  }
0x42: {  	_ =	swait.ge [sflag:s3], $0x8000  }
0x43: {  	s24 =	sadd.s32 $0xFFFFFFFF, s31;
	[sflag:s3] =	ssyncset.done $0x0  }
.LBB2_1:
0x44: {  	p0 =	sne.s32 s24, $0x1;
	s24 =	sadd.s32 $0xFFFFFFFF, s24;
	[sflag:s3] =	ssyncadd.s32 $0xFFFF8000  }
0x45: {  	[tilespmem:s2], [sflag:$0x2] =	stream.linear.gather [hbm4b:s4+s2], $0x200, $0x38;
	[tilespmem:$0x10400] =	vst v63  }
0x46: {  	_ =	swait.ge [sflag:s3], $0x200  }
0x47: {  	[sflag:s3] =	ssyncset.done $0x0  }
0x48: {  	[sflag:s3] =	ssyncadd.s32 $0xFFFFFE00  }
0x49: {  	[tilespmem:s6], [sflag:$0x2] =	stream.linear.gather [hbm4b:s5+s2], $0x200, $0x38;
	[tilespmem:$0x10400] =	vst v63  }
0x4a: {  	_ =	swait.ge [sflag:s3], $0x200  }
0x4b: {  	[sflag:s3] =	ssyncset.done $0x0  }
0x4c: {  	[sflag:s3] =	ssyncadd.s32 $0xFFFFFE00  }
0x4d: {  	[tilespmem:s9], [sflag:$0x1] =	stream.indirect.gather [hbm4b:s7+s8], $0x80, s2, s8, $0xb8;
	[tilespmem:$0x10400] =	vst v63  }
0x4e: {  	_ = 	snop  }
0x4f: {  	[tilespmem:s11], [sflag:$0x1] =	stream.indirect.gather [hbm4b:s10+s8], $0x80, s6, s8, $0xb8;
	[tilespmem:$0x10400] =	vst v63  }
0x50: {  	_ = 	snop  }
0x51: {  	[tilespmem:s12], [sflag:$0x1] =	stream.indirect.gather [hbm4b:s7+s8], $0x80, s8, s8, $0xb8;
	[tilespmem:$0x10400] =	vst v63  }
0x52: {  	_ = 	snop  }
0x53: {  	[tilespmem:s14], [sflag:$0x1] =	stream.indirect.gather [hbm4b:s10+s8], $0x80, s13, s8, $0xb8;
	[tilespmem:$0x10400] =	vst v63  }
0x54: {  	_ =	swait.ge [sflag:s15], $0x4000  }
0x55: {  	[sflag:s15] =	ssyncset.done $0x0  }
0x56: {  	[sflag:s15] =	ssyncadd.s32 $0xFFFFC000  }
0x57: {  	_ =	swait.ge [sflag:s15], $0x4000  }
0x58: {  	[sflag:s15] =	ssyncset.done $0x0  }
0x59: {  	[sflag:s15] =	ssyncadd.s32 $0xFFFFC000  }
0x5a: {  	_ =	swait.ge [sflag:s15], $0x4000  }
0x5b: {  	[sflag:s15] =	ssyncset.done $0x0  }
0x5c: {  	[sflag:s15] =	ssyncadd.s32 $0xFFFFC000  }
0x5d: {  	_ =	swait.ge [sflag:s15], $0x4000  }
0x5e: {  	[sflag:s15] =	ssyncset.done $0x0  }
0x5f: {  	[sflag:s15] =	ssyncadd.s32 $0xFFFFC000  }
0x60: {  	[hbm4b:s16+s2] =	stream.linear.scatter [tilespmem:s9], [sflag:$0x2], $0x8000, $0x38;
	[tilespmem:$0x10400] =	vst v63  }
0x61: {  	_ =	swait.ge [sflag:s3], $0x8000  }
0x62: {  	[sflag:s3] =	ssyncset.done $0x0  }
0x63: {  	[sflag:s3] =	ssyncadd.s32 $0xFFFF8000  }
0x64: {  	[hbm4b:s17+s2] =	stream.linear.scatter [tilespmem:s11], [sflag:$0x2], $0x8000, $0x38;
	[tilespmem:$0x10400] =	vst v63  }
0x65: {  	_ =	swait.ge [sflag:s3], $0x8000  }
0x66: {  	[sflag:s3] =	ssyncset.done $0x0  }
0x67: {  	[sflag:s3] =	ssyncadd.s32 $0xFFFF8000  }
0x68: {  	[tilespmem:s9], [sflag:$0x1] =	stream.indirect.gather [hbm4b:s7+s8], $0x80, s18, s8, $0xb8;
	[tilespmem:$0x10400] =	vst v63  }
0x69: {  	_ = 	snop  }
0x6a: {  	[tilespmem:s11], [sflag:$0x1] =	stream.indirect.gather [hbm4b:s10+s8], $0x80, s19, s8, $0xb8;
	[tilespmem:$0x10400] =	vst v63  }
0x6b: {  	_ = 	snop  }
0x6c: {  	[tilespmem:s12], [sflag:$0x1] =	stream.indirect.gather [hbm4b:s7+s8], $0x80, s20, s8, $0xb8;
	[tilespmem:$0x10400] =	vst v63  }
0x6d: {  	_ = 	snop  }
0x6e: {  	[tilespmem:s14], [sflag:$0x1] =	stream.indirect.gather [hbm4b:s10+s8], $0x80, s21, s8, $0xb8;
	[tilespmem:$0x10400] =	vst v63  }
0x6f: {  	_ =	swait.ge [sflag:s15], $0x4000  }
0x70: {  	[sflag:s15] =	ssyncset.done $0x0  }
0x71: {  	[sflag:s15] =	ssyncadd.s32 $0xFFFFC000  }
0x72: {  	_ =	swait.ge [sflag:s15], $0x4000  }
0x73: {  	[sflag:s15] =	ssyncset.done $0x0  }
0x74: {  	[sflag:s15] =	ssyncadd.s32 $0xFFFFC000  }
0x75: {  	_ =	swait.ge [sflag:s15], $0x4000  }
0x76: {  	[sflag:s15] =	ssyncset.done $0x0  }
0x77: {  	[sflag:s15] =	ssyncadd.s32 $0xFFFFC000  }
0x78: {  	_ =	swait.ge [sflag:s15], $0x4000  }
0x79: {  	[sflag:s15] =	ssyncset.done $0x0  }
0x7a: {  	[sflag:s15] =	ssyncadd.s32 $0xFFFFC000  }
0x7b: {  	[hbm4b:s22+s2] =	stream.linear.scatter [tilespmem:s9], [sflag:$0x2], $0x8000, $0x38;
	[tilespmem:$0x10400] =	vst v63  }
0x7c: {  	_ =	swait.ge [sflag:s3], $0x8000  }
.Ltmp1:
0x7d: {  	[sflag:s3] =	ssyncset.done $0x0;
	(pc) =	sbr.rel @p0 .LBB2_1-.Ltmp1, $4  }
0x7e: {  	[sflag:s3] =	ssyncadd.s32 $0xFFFF8000  }
0x7f: {  	[hbm4b:s23+s2] =	stream.linear.scatter [tilespmem:s11], [sflag:$0x2], $0x8000, $0x38;
	[tilespmem:$0x10400] =	vst v63  }
0x80: {  	_ =	swait.ge [sflag:s3], $0x8000  }
0x81: {  	[sflag:s3] =	ssyncset.done $0x0  }
.LBB2_2:
0x82: {  	[sflag:s3] =	ssyncadd.s32 $0xFFFF8000  }
0x83: {  	_ =	sfence.sel $0x180000  }
0x84: {  	[bflag:$0x0] =	sbarrier.arrive $0xFFFF  }
0x85: {  	p0 =	sne.s32 s0, $0x0;
	_ =	strace $0x90000047  }
0x86: {  	s0 =	sadd.s32 @!p0 $0x100000, s1;
	[bflag:$0x2] =	sbarrier.arrive $0xFFFF  }
0x87: {  	[sflag:s0] =	ssyncadd.tile.s32 @!p0 $0x1;
	_ =	shalt  }
.Lfunc_end2:
_tile_overlayer_lowered:
.L_overlay_start_2:
0x88: {  	(tag) =	ssettag $0x2  }
0x89: {  	s0 =	rddreg [dreg:$0x0];
	s2 =	stileid.u32  }
0x8a: {  	s1 =	rddreg [dreg:$0x1];
	p0 =	sne.s32 s2, $0x0  }
0x8b: {  	s3 =	rddreg [dreg:$0x2];
	[bflag:$0x3] =	sbarrier.arrive $0xFFFF;
	s2 =	simm.s32 @!p0 $0x1C02  }
0x8c: {  	[timem:s3], [sflag:s2] =	dma.local @!p0 [hbm:s0], s1  }
0x8d: {  	s0 =	simm.s32 @!p0 $0x2  }
0x8e: {  	_ =	swait.ge @!p0 [sflag:s0], s1  }
0x8f: {  	s1 =	ssub.s32 @!p0 $0x0, s1;
	[sflag:s0] =	ssyncset.done @!p0 $0x0  }
0x90: {  	[sflag:s0] =	ssyncadd.s32 @!p0 s1  }
0x91: {  	[bflag:$0x3] =	sbarrier.arrive $0xFFFF  }
0x92: {  	_ =	shalt  }

</sc_bundles>
